<compile_context>
chip_gen: v7x
topology: tpu7x:2x2x1
jax: 0.10.2.dev20260603
libtpu: 0.0.44.dev20260713+nightly
codegen_flags: <defaults>
</compile_context>

<pallas_src>
import functools

import jax
import jax.numpy as jnp
from jax import lax
from jax.experimental import pallas as pl
from jax.experimental.pallas import tpu as pltpu
from jax.experimental.pallas import tpu_sc as plsc

NC = 2
NS = 16
LN = 16
NW = NC * NS


def _mesh():
    return plsc.VectorSubcoreMesh(
        core_axis_name="c", subcore_axis_name="s",
        num_cores=NC, num_subcores=NS)


def _deg_body(n_pad, epw, chunk, src_ref, dst_ref, dego_ref, degi_ref,
              idx_s, idx_d, hist_o, hist_i, red_buf, acc_buf,
              shared_o, shared_i):
    cid = lax.axis_index("c")
    sid = lax.axis_index("s")
    wid = sid * NC + cid
    ones = jnp.ones((LN,), jnp.float32)
    zeros = jnp.zeros((LN,), jnp.float32)

    def zero_hist(i, _):
        hist_o[pl.ds(i * LN, LN)] = zeros
        hist_i[pl.ds(i * LN, LN)] = zeros
        return 0
    lax.fori_loop(0, n_pad // LN, zero_hist, 0)

    base = wid * epw

    def do_chunk(c, _):
        off = base + c * chunk
        pltpu.sync_copy(src_ref.at[pl.ds(off, chunk)], idx_s)
        pltpu.sync_copy(dst_ref.at[pl.ds(off, chunk)], idx_d)
        for j in range(chunk // LN):
            si = idx_s[pl.ds(j * LN, LN)]
            plsc.addupdate_scatter(hist_o, [si], ones)
            di = idx_d[pl.ds(j * LN, LN)]
            plsc.addupdate_scatter(hist_i, [di], ones)
        return 0
    lax.fori_loop(0, epw // chunk, do_chunk, 0)

    pltpu.sync_copy(hist_o, shared_o.at[sid])
    pltpu.sync_copy(hist_i, shared_i.at[sid])
    plsc.subcore_barrier()

    cpt = n_pad // NS
    col0 = sid * cpt
    for which in range(2):
        sh = shared_o if which == 0 else shared_i
        dst = dego_ref if which == 0 else degi_ref
        pltpu.sync_copy(sh.at[:, pl.ds(col0, cpt)], red_buf)

        def red(v, _):
            acc = red_buf[0, pl.ds(v * LN, LN)]
            for r in range(1, NS):
                acc = acc + red_buf[r, pl.ds(v * LN, LN)]
            acc_buf[pl.ds(v * LN, LN)] = acc
            return 0
        lax.fori_loop(0, cpt // LN, red, 0)
        pltpu.sync_copy(acc_buf, dst.at[cid, pl.ds(col0, cpt)])


def _make_deg_call(e, n_pad):
    epw = e // NW
    chunk = 400
    assert epw % chunk == 0 and chunk % LN == 0
    cpt = n_pad // NS
    body = functools.partial(_deg_body, n_pad, epw, chunk)
    return pl.kernel(
        body,
        out_type=(jax.ShapeDtypeStruct((NC, n_pad), jnp.float32),
                  jax.ShapeDtypeStruct((NC, n_pad), jnp.float32)),
        mesh=_mesh(),
        scratch_types=[
            pltpu.VMEM((chunk,), jnp.int32),
            pltpu.VMEM((chunk,), jnp.int32),
            pltpu.VMEM((n_pad,), jnp.float32),
            pltpu.VMEM((n_pad,), jnp.float32),
            pltpu.VMEM((NS, cpt), jnp.float32),
            pltpu.VMEM((cpt,), jnp.float32),
            pltpu.VMEM_SHARED((NS, n_pad), jnp.float32),
            pltpu.VMEM_SHARED((NS, n_pad), jnp.float32),
        ],
        compiler_params=pltpu.CompilerParams(needs_layout_passes=False),
    )


def _agg_body(n_pad, d, epw, chunk, h_ref, src_ref, dst_ref, out_ref,
              idx_s, idx_d, rows, zbuf, acc_sh, sem):
    cid = lax.axis_index("c")
    sid = lax.axis_index("s")
    wid = sid * NC + cid

    zrows = zbuf.shape[0]

    def zfill(r, _):
        for k in range(d // LN):
            zbuf[r, pl.ds(k * LN, LN)] = jnp.zeros((LN,), jnp.float32)
        return 0
    lax.fori_loop(0, zrows, zfill, 0)
    rpt = n_pad // NS
    for k in range(rpt // zrows):
        pltpu.sync_copy(zbuf, acc_sh.at[pl.ds(sid * rpt + k * zrows, zrows)])
    plsc.subcore_barrier()

    base = wid * epw

    def do_chunk(c, _):
        off = base + c * chunk
        pltpu.sync_copy(src_ref.at[pl.ds(off, chunk)], idx_s)
        pltpu.sync_copy(dst_ref.at[pl.ds(off, chunk)], idx_d)
        pltpu.async_copy(h_ref.at[idx_s], rows, sem).wait()
        pltpu.sync_copy(rows, acc_sh.at[idx_d], add=True)
        return 0
    lax.fori_loop(0, epw // chunk, do_chunk, 0)
    plsc.subcore_barrier()

    for k in range(rpt // zrows):
        r0 = sid * rpt + k * zrows
        pltpu.sync_copy(acc_sh.at[pl.ds(r0, zrows)],
                        out_ref.at[cid, pl.ds(r0, zrows)])


def _make_agg_call(n_pad, d, e):
    epw = e // NW
    chunk = 80
    assert epw % chunk == 0
    rpt = n_pad // NS
    zrows = 128
    assert rpt % zrows == 0
    body = functools.partial(_agg_body, n_pad, d, epw, chunk)
    return pl.kernel(
        body,
        out_type=jax.ShapeDtypeStruct((NC, n_pad, d), jnp.float32),
        mesh=_mesh(),
        scratch_types=[
            pltpu.VMEM((chunk,), jnp.int32),
            pltpu.VMEM((chunk,), jnp.int32),
            pltpu.VMEM((chunk, d), jnp.float32),
            pltpu.VMEM((zrows, d), jnp.float32),
            pltpu.VMEM_SHARED((n_pad, d), jnp.float32),
            pltpu.SemaphoreType.DMA,
        ],
        compiler_params=pltpu.CompilerParams(needs_layout_passes=False),
    )


def _mm_body(x_ref, deg_ref, w_ref, out_ref):
    dpair = deg_ref[...]
    dsum = dpair[:, 0] + dpair[:, 1]
    ns = lax.rsqrt(jnp.maximum(dsum, 1.0))
    h = x_ref[...] * ns[:, None]
    out_ref[...] = jnp.dot(h, w_ref[...], preferred_element_type=jnp.float32)


def _make_mm_call(n, d, rows):
    assert n % rows == 0
    grid = n // rows
    return pl.pallas_call(
        _mm_body,
        grid=(grid,),
        in_specs=[
            pl.BlockSpec((rows, d), lambda i: (i, 0)),
            pl.BlockSpec((rows, NC), lambda i: (i, 0)),
            pl.BlockSpec((d, d), lambda i: (0, 0)),
        ],
        out_specs=pl.BlockSpec((rows, d), lambda i: (i, 0)),
        out_shape=jax.ShapeDtypeStruct((n, d), jnp.float32),
    )


def _fin_body(p_ref, deg_ref, b_ref, out_ref):
    agg = p_ref[0] + p_ref[1]
    dpair = deg_ref[...]
    dsum = dpair[:, 0] + dpair[:, 1]
    nd = lax.rsqrt(jnp.maximum(dsum, 1.0))
    out = agg * nd[:, None] + b_ref[...]
    out_ref[...] = jnp.maximum(out, 0.0)


def _make_fin_call(n, d, rows):
    assert n % rows == 0
    grid = n // rows
    return pl.pallas_call(
        _fin_body,
        grid=(grid,),
        in_specs=[
            pl.BlockSpec((NC, rows, d), lambda i: (0, i, 0)),
            pl.BlockSpec((rows, NC), lambda i: (i, 0)),
            pl.BlockSpec((1, d), lambda i: (0, 0)),
        ],
        out_specs=pl.BlockSpec((rows, d), lambda i: (i, 0)),
        out_shape=jax.ShapeDtypeStruct((n, d), jnp.float32),
    )


def kernel(x, edge_index, W, b):
    n, d = x.shape
    e = edge_index.shape[1]
    n_pad = ((n + (LN * NS) - 1) // (LN * NS)) * (LN * NS)

    src = edge_index[0]
    dst = edge_index[1]
    dego_p, degi_p = _make_deg_call(e, n_pad)(src, dst)
    dego = jnp.transpose(dego_p[:, :n])
    degi = jnp.transpose(degi_p[:, :n])

    hw = _make_mm_call(n, d, 1000)(x, dego, W)
    parts = _make_agg_call(n_pad, d, e)(hw, src, dst)[:, :n, :]
    out = _make_fin_call(n, d, 1000)(parts, degi, jnp.reshape(b, (1, d)))
    return out

# --- scband reference (transcript-rebuilt; emitter-appended) ---
"""Pipeline reference for scband-gcn-63840393887760 (READ-ONLY COPY).

The authoritative reference and input builder live on the scoring server;
editing this copy changes nothing except your own understanding.
"""

import jax, jax.numpy as jnp
import numpy as np

N = 10000
E = 320000
D_IN = 128
D_OUT = 128


def setup_inputs(seed: int = 0) -> dict:
    key = jax.random.key(seed)
    k1, k2, k3 = jax.random.split(key, 3)
    x = jax.random.normal(k1, (N, D_IN), dtype=jnp.float32)
    edge_index = jax.random.randint(k2, (2, E), 0, N, dtype=jnp.int32)
    # GraphConv learned params (glorot-ish init for weight, zeros for bias)
    W = jax.random.normal(k3, (D_IN, D_OUT), dtype=jnp.float32) * (1.0 / np.sqrt(D_IN))
    b = jnp.zeros((D_OUT,), dtype=jnp.float32)
    return {"x": x, "edge_index": edge_index, "W": W, "b": b}


def reference(x, edge_index, W, b):
    # DGL GraphConv with norm='both', activation=relu, bias=True.
    # h' = relu( D_dst^{-1/2} * A * D_src^{-1/2} * x * W + b )
    src = edge_index[0]
    dst = edge_index[1]
    ones = jnp.ones((src.shape[0],), dtype=x.dtype)
    deg_out = jax.ops.segment_sum(ones, src, num_segments=N)
    deg_in = jax.ops.segment_sum(ones, dst, num_segments=N)
    norm_src = jnp.power(jnp.clip(deg_out, 1.0, None), -0.5)
    norm_dst = jnp.power(jnp.clip(deg_in, 1.0, None), -0.5)
    h = x * norm_src[:, None]
    msg = h[src]  # gather over edges
    agg = jax.ops.segment_sum(msg, dst, num_segments=N)  # scatter-add
    agg = agg * norm_dst[:, None]
    out = agg @ W + b
    out = jax.nn.relu(out)
    # wrapper: normalization=False, dropout=0.0 -> identity
    return out

if __name__ == "__main__":
    import jax
    _d = setup_inputs()
    print(jax.jit(kernel)(*tuple(_d.values())))

</pallas_src>

<mosaic_0001>
#map = affine_map<(d0, d1) -> (0, 0)>
#map1 = affine_map<(d0, d1) -> (0)>
#map2 = affine_map<(d0, d1) -> (0, 0, 0)>
module attributes {stable_mosaic.version = 14 : i64} {
  func.func @_agg_body(%arg0: i32, %arg1: i32, %arg2: memref<10000x128xf32, #tpu.memory_space<hbm>>, %arg3: memref<320000xi32, #tpu.memory_space<hbm>>, %arg4: memref<320000xi32, #tpu.memory_space<hbm>>, %arg5: memref<2x10240x128xf32, #tpu.memory_space<hbm>>, %arg6: memref<80xi32, #tpu.memory_space<vmem>>, %arg7: memref<80xi32, #tpu.memory_space<vmem>>, %arg8: memref<80x128xf32, #tpu.memory_space<vmem>>, %arg9: memref<128x128xf32, #tpu.memory_space<vmem>>, %arg10: memref<10240x128xf32, #tpu.memory_space<vmem_shared>>, %arg11: memref<!tpu.dma_semaphore, #tpu.memory_space<semaphore_mem>>) attributes {dimension_semantics = [#tpu.dimension_semantics<core_parallel>, #tpu.dimension_semantics<subcore_parallel>], iteration_bounds = array<i64: 2, 16>, scalar_prefetch = 0 : i64, scratch_operands = 6 : i64, tpu.core_type = #tpu.core_type<sc_vector_subcore>, window_params = [{transform_indices = #map}, {transform_indices = #map1}, {transform_indices = #map1}, {transform_indices = #map2}]} {
    %mul3A = arith.constant 2 : i32
    %mul3A_0 = arith.muli %arg1, %mul3A : i32
    %add3A = arith.addi %mul3A_0, %arg0 : i32
    %scan3A = arith.constant 0 : i32
    %scan3A_1 = arith.constant 0 : i32
    %scan3A_2 = arith.constant 128 : i32
    %scan3A_3 = arith.addi %scan3A_1, %scan3A_2 : i32
    %scan3A_4 = arith.constant 1 : i32
    %scan3A_5 = scf.for %scan3A_57 = %scan3A_1 to %scan3A_3 step %scan3A_4 iter_args(%scan3A_58 = %scan3A) -> (i32)  : i32 {
      %broadcast_in_dim3A = arith.constant 0.000000e+00 : f32
      %broadcast_in_dim3A_59 = vector.broadcast %broadcast_in_dim3A : f32 to vector<16xf32>
      %swap3A = arith.index_cast %scan3A_57 : i32 to index
      %swap3A_60 = arith.constant 0 : index
      %swap3A_61 = tpu.vector_load %arg9[%swap3A, %swap3A_60] {strides = array<i32>} : memref<128x128xf32, #tpu.memory_space<vmem>>, vector<16xf32>,
      tpu.vector_store %arg9[%swap3A, %swap3A_60], %broadcast_in_dim3A_59 {strides = array<i32>} : memref<128x128xf32, #tpu.memory_space<vmem>>, vector<16xf32>,
      %broadcast_in_dim3A_62 = arith.constant 0.000000e+00 : f32
      %broadcast_in_dim3A_63 = vector.broadcast %broadcast_in_dim3A_62 : f32 to vector<16xf32>
      %swap3A_64 = arith.index_cast %scan3A_57 : i32 to index
      %swap3A_65 = arith.constant 16 : index
      %swap3A_66 = tpu.vector_load %arg9[%swap3A_64, %swap3A_65] {strides = array<i32>} : memref<128x128xf32, #tpu.memory_space<vmem>>, vector<16xf32>,
      tpu.vector_store %arg9[%swap3A_64, %swap3A_65], %broadcast_in_dim3A_63 {strides = array<i32>} : memref<128x128xf32, #tpu.memory_space<vmem>>, vector<16xf32>,
      %broadcast_in_dim3A_67 = arith.constant 0.000000e+00 : f32
      %broadcast_in_dim3A_68 = vector.broadcast %broadcast_in_dim3A_67 : f32 to vector<16xf32>
      %swap3A_69 = arith.index_cast %scan3A_57 : i32 to index
      %swap3A_70 = arith.constant 32 : index
      %swap3A_71 = tpu.vector_load %arg9[%swap3A_69, %swap3A_70] {strides = array<i32>} : memref<128x128xf32, #tpu.memory_space<vmem>>, vector<16xf32>,
      tpu.vector_store %arg9[%swap3A_69, %swap3A_70], %broadcast_in_dim3A_68 {strides = array<i32>} : memref<128x128xf32, #tpu.memory_space<vmem>>, vector<16xf32>,
      %broadcast_in_dim3A_72 = arith.constant 0.000000e+00 : f32
      %broadcast_in_dim3A_73 = vector.broadcast %broadcast_in_dim3A_72 : f32 to vector<16xf32>
      %swap3A_74 = arith.index_cast %scan3A_57 : i32 to index
      %swap3A_75 = arith.constant 48 : index
      %swap3A_76 = tpu.vector_load %arg9[%swap3A_74, %swap3A_75] {strides = array<i32>} : memref<128x128xf32, #tpu.memory_space<vmem>>, vector<16xf32>,
      tpu.vector_store %arg9[%swap3A_74, %swap3A_75], %broadcast_in_dim3A_73 {strides = array<i32>} : memref<128x128xf32, #tpu.memory_space<vmem>>, vector<16xf32>,
      %broadcast_in_dim3A_77 = arith.constant 0.000000e+00 : f32
      %broadcast_in_dim3A_78 = vector.broadcast %broadcast_in_dim3A_77 : f32 to vector<16xf32>
      %swap3A_79 = arith.index_cast %scan3A_57 : i32 to index
      %swap3A_80 = arith.constant 64 : index
      %swap3A_81 = tpu.vector_load %arg9[%swap3A_79, %swap3A_80] {strides = array<i32>} : memref<128x128xf32, #tpu.memory_space<vmem>>, vector<16xf32>,
      tpu.vector_store %arg9[%swap3A_79, %swap3A_80], %broadcast_in_dim3A_78 {strides = array<i32>} : memref<128x128xf32, #tpu.memory_space<vmem>>, vector<16xf32>,
      %broadcast_in_dim3A_82 = arith.constant 0.000000e+00 : f32
      %broadcast_in_dim3A_83 = vector.broadcast %broadcast_in_dim3A_82 : f32 to vector<16xf32>
      %swap3A_84 = arith.index_cast %scan3A_57 : i32 to index
      %swap3A_85 = arith.constant 80 : index
      %swap3A_86 = tpu.vector_load %arg9[%swap3A_84, %swap3A_85] {strides = array<i32>} : memref<128x128xf32, #tpu.memory_space<vmem>>, vector<16xf32>,
      tpu.vector_store %arg9[%swap3A_84, %swap3A_85], %broadcast_in_dim3A_83 {strides = array<i32>} : memref<128x128xf32, #tpu.memory_space<vmem>>, vector<16xf32>,
      %broadcast_in_dim3A_87 = arith.constant 0.000000e+00 : f32
      %broadcast_in_dim3A_88 = vector.broadcast %broadcast_in_dim3A_87 : f32 to vector<16xf32>
      %swap3A_89 = arith.index_cast %scan3A_57 : i32 to index
      %swap3A_90 = arith.constant 96 : index
      %swap3A_91 = tpu.vector_load %arg9[%swap3A_89, %swap3A_90] {strides = array<i32>} : memref<128x128xf32, #tpu.memory_space<vmem>>, vector<16xf32>,
      tpu.vector_store %arg9[%swap3A_89, %swap3A_90], %broadcast_in_dim3A_88 {strides = array<i32>} : memref<128x128xf32, #tpu.memory_space<vmem>>, vector<16xf32>,
      %broadcast_in_dim3A_92 = arith.constant 0.000000e+00 : f32
      %broadcast_in_dim3A_93 = vector.broadcast %broadcast_in_dim3A_92 : f32 to vector<16xf32>
      %swap3A_94 = arith.index_cast %scan3A_57 : i32 to index
      %swap3A_95 = arith.constant 112 : index
      %swap3A_96 = tpu.vector_load %arg9[%swap3A_94, %swap3A_95] {strides = array<i32>} : memref<128x128xf32, #tpu.memory_space<vmem>>, vector<16xf32>,
      tpu.vector_store %arg9[%swap3A_94, %swap3A_95], %broadcast_in_dim3A_93 {strides = array<i32>} : memref<128x128xf32, #tpu.memory_space<vmem>>, vector<16xf32>,
      %scan3A_97 = arith.constant 0 : i32
      scf.yield %scan3A_97 : i32
    }
    %scan3A_6 = arith.constant 128 : i32
    %mul3A_7 = arith.constant 640 : i32
    %mul3A_8 = arith.muli %arg1, %mul3A_7 : i32
    %add3A_9 = arith.constant 0 : i32
    %add3A_10 = arith.addi %mul3A_8, %add3A_9 : i32
    "tpu.region"() ({
      %run_scoped3A = tpu.sem_alloc : memref<!tpu.dma_semaphore, #tpu.memory_space<semaphore_mem>>
      %dma_start3A = arith.constant 0 : i32
      %dma_start3A_57 = tpu.memref_slice %arg10[%add3A_10, %dma_start3A] : memref<10240x128xf32, #tpu.memory_space<vmem_shared>> -> memref<128x128xf32, #tpu.memory_space<vmem_shared>>
      %dma_start3A_58 = arith.constant 0 : i32
      %dma_start3A_59 = tpu.memref_slice %arg10[%add3A_10, %dma_start3A_58] : memref<10240x128xf32, #tpu.memory_space<vmem_shared>> -> memref<128x128xf32, #tpu.memory_space<vmem_shared>>
      tpu.enqueue_dma source(%arg9 : memref<128x128xf32, #tpu.memory_space<vmem>>) target(%dma_start3A_59 : memref<128x128xf32, #tpu.memory_space<vmem_shared>>) target_semaphore(%run_scoped3A : memref<!tpu.dma_semaphore, #tpu.memory_space<semaphore_mem>>)
      %dma_wait3A = arith.constant 0 : i32
      %dma_wait3A_60 = tpu.memref_slice %arg10[%add3A_10, %dma_wait3A] : memref<10240x128xf32, #tpu.memory_space<vmem_shared>> -> memref<128x128xf32, #tpu.memory_space<vmem_shared>>
      %dma_wait3A_61 = arith.constant 0 : i32
      %dma_wait3A_62 = tpu.memref_slice %arg10[%add3A_10, %dma_wait3A_61] : memref<10240x128xf32, #tpu.memory_space<vmem_shared>> -> memref<128x128xf32, #tpu.memory_space<vmem_shared>>
      tpu.wait_dma2 semaphore(%run_scoped3A : memref<!tpu.dma_semaphore, #tpu.memory_space<semaphore_mem>>) src(%arg9 : memref<128x128xf32, #tpu.memory_space<vmem>>) dst(%dma_wait3A_62 : memref<128x128xf32, #tpu.memory_space<vmem_shared>>)
      tpu.yield
    }) : () -> ()
    %mul3A_11 = arith.constant 640 : i32
    %mul3A_12 = arith.muli %arg1, %mul3A_11 : i32
    %add3A_13 = arith.constant 128 : i32
    %add3A_14 = arith.addi %mul3A_12, %add3A_13 : i32
    "tpu.region"() ({
      %run_scoped3A = tpu.sem_alloc : memref<!tpu.dma_semaphore, #tpu.memory_space<semaphore_mem>>
      %dma_start3A = arith.constant 0 : i32
      %dma_start3A_57 = tpu.memref_slice %arg10[%add3A_14, %dma_start3A] : memref<10240x128xf32, #tpu.memory_space<vmem_shared>> -> memref<128x128xf32, #tpu.memory_space<vmem_shared>>
      %dma_start3A_58 = arith.constant 0 : i32
      %dma_start3A_59 = tpu.memref_slice %arg10[%add3A_14, %dma_start3A_58] : memref<10240x128xf32, #tpu.memory_space<vmem_shared>> -> memref<128x128xf32, #tpu.memory_space<vmem_shared>>
      tpu.enqueue_dma source(%arg9 : memref<128x128xf32, #tpu.memory_space<vmem>>) target(%dma_start3A_59 : memref<128x128xf32, #tpu.memory_space<vmem_shared>>) target_semaphore(%run_scoped3A : memref<!tpu.dma_semaphore, #tpu.memory_space<semaphore_mem>>)
      %dma_wait3A = arith.constant 0 : i32
      %dma_wait3A_60 = tpu.memref_slice %arg10[%add3A_14, %dma_wait3A] : memref<10240x128xf32, #tpu.memory_space<vmem_shared>> -> memref<128x128xf32, #tpu.memory_space<vmem_shared>>
      %dma_wait3A_61 = arith.constant 0 : i32
      %dma_wait3A_62 = tpu.memref_slice %arg10[%add3A_14, %dma_wait3A_61] : memref<10240x128xf32, #tpu.memory_space<vmem_shared>> -> memref<128x128xf32, #tpu.memory_space<vmem_shared>>
      tpu.wait_dma2 semaphore(%run_scoped3A : memref<!tpu.dma_semaphore, #tpu.memory_space<semaphore_mem>>) src(%arg9 : memref<128x128xf32, #tpu.memory_space<vmem>>) dst(%dma_wait3A_62 : memref<128x128xf32, #tpu.memory_space<vmem_shared>>)
      tpu.yield
    }) : () -> ()
    %mul3A_15 = arith.constant 640 : i32
    %mul3A_16 = arith.muli %arg1, %mul3A_15 : i32
    %add3A_17 = arith.constant 256 : i32
    %add3A_18 = arith.addi %mul3A_16, %add3A_17 : i32
    "tpu.region"() ({
      %run_scoped3A = tpu.sem_alloc : memref<!tpu.dma_semaphore, #tpu.memory_space<semaphore_mem>>
      %dma_start3A = arith.constant 0 : i32
      %dma_start3A_57 = tpu.memref_slice %arg10[%add3A_18, %dma_start3A] : memref<10240x128xf32, #tpu.memory_space<vmem_shared>> -> memref<128x128xf32, #tpu.memory_space<vmem_shared>>
      %dma_start3A_58 = arith.constant 0 : i32
      %dma_start3A_59 = tpu.memref_slice %arg10[%add3A_18, %dma_start3A_58] : memref<10240x128xf32, #tpu.memory_space<vmem_shared>> -> memref<128x128xf32, #tpu.memory_space<vmem_shared>>
      tpu.enqueue_dma source(%arg9 : memref<128x128xf32, #tpu.memory_space<vmem>>) target(%dma_start3A_59 : memref<128x128xf32, #tpu.memory_space<vmem_shared>>) target_semaphore(%run_scoped3A : memref<!tpu.dma_semaphore, #tpu.memory_space<semaphore_mem>>)
      %dma_wait3A = arith.constant 0 : i32
      %dma_wait3A_60 = tpu.memref_slice %arg10[%add3A_18, %dma_wait3A] : memref<10240x128xf32, #tpu.memory_space<vmem_shared>> -> memref<128x128xf32, #tpu.memory_space<vmem_shared>>
      %dma_wait3A_61 = arith.constant 0 : i32
      %dma_wait3A_62 = tpu.memref_slice %arg10[%add3A_18, %dma_wait3A_61] : memref<10240x128xf32, #tpu.memory_space<vmem_shared>> -> memref<128x128xf32, #tpu.memory_space<vmem_shared>>
      tpu.wait_dma2 semaphore(%run_scoped3A : memref<!tpu.dma_semaphore, #tpu.memory_space<semaphore_mem>>) src(%arg9 : memref<128x128xf32, #tpu.memory_space<vmem>>) dst(%dma_wait3A_62 : memref<128x128xf32, #tpu.memory_space<vmem_shared>>)
      tpu.yield
    }) : () -> ()
    %mul3A_19 = arith.constant 640 : i32
    %mul3A_20 = arith.muli %arg1, %mul3A_19 : i32
    %add3A_21 = arith.constant 384 : i32
    %add3A_22 = arith.addi %mul3A_20, %add3A_21 : i32
    "tpu.region"() ({
      %run_scoped3A = tpu.sem_alloc : memref<!tpu.dma_semaphore, #tpu.memory_space<semaphore_mem>>
      %dma_start3A = arith.constant 0 : i32
      %dma_start3A_57 = tpu.memref_slice %arg10[%add3A_22, %dma_start3A] : memref<10240x128xf32, #tpu.memory_space<vmem_shared>> -> memref<128x128xf32, #tpu.memory_space<vmem_shared>>
      %dma_start3A_58 = arith.constant 0 : i32
      %dma_start3A_59 = tpu.memref_slice %arg10[%add3A_22, %dma_start3A_58] : memref<10240x128xf32, #tpu.memory_space<vmem_shared>> -> memref<128x128xf32, #tpu.memory_space<vmem_shared>>
      tpu.enqueue_dma source(%arg9 : memref<128x128xf32, #tpu.memory_space<vmem>>) target(%dma_start3A_59 : memref<128x128xf32, #tpu.memory_space<vmem_shared>>) target_semaphore(%run_scoped3A : memref<!tpu.dma_semaphore, #tpu.memory_space<semaphore_mem>>)
      %dma_wait3A = arith.constant 0 : i32
      %dma_wait3A_60 = tpu.memref_slice %arg10[%add3A_22, %dma_wait3A] : memref<10240x128xf32, #tpu.memory_space<vmem_shared>> -> memref<128x128xf32, #tpu.memory_space<vmem_shared>>
      %dma_wait3A_61 = arith.constant 0 : i32
      %dma_wait3A_62 = tpu.memref_slice %arg10[%add3A_22, %dma_wait3A_61] : memref<10240x128xf32, #tpu.memory_space<vmem_shared>> -> memref<128x128xf32, #tpu.memory_space<vmem_shared>>
      tpu.wait_dma2 semaphore(%run_scoped3A : memref<!tpu.dma_semaphore, #tpu.memory_space<semaphore_mem>>) src(%arg9 : memref<128x128xf32, #tpu.memory_space<vmem>>) dst(%dma_wait3A_62 : memref<128x128xf32, #tpu.memory_space<vmem_shared>>)
      tpu.yield
    }) : () -> ()
    %mul3A_23 = arith.constant 640 : i32
    %mul3A_24 = arith.muli %arg1, %mul3A_23 : i32
    %add3A_25 = arith.constant 512 : i32
    %add3A_26 = arith.addi %mul3A_24, %add3A_25 : i32
    "tpu.region"() ({
      %run_scoped3A = tpu.sem_alloc : memref<!tpu.dma_semaphore, #tpu.memory_space<semaphore_mem>>
      %dma_start3A = arith.constant 0 : i32
      %dma_start3A_57 = tpu.memref_slice %arg10[%add3A_26, %dma_start3A] : memref<10240x128xf32, #tpu.memory_space<vmem_shared>> -> memref<128x128xf32, #tpu.memory_space<vmem_shared>>
      %dma_start3A_58 = arith.constant 0 : i32
      %dma_start3A_59 = tpu.memref_slice %arg10[%add3A_26, %dma_start3A_58] : memref<10240x128xf32, #tpu.memory_space<vmem_shared>> -> memref<128x128xf32, #tpu.memory_space<vmem_shared>>
      tpu.enqueue_dma source(%arg9 : memref<128x128xf32, #tpu.memory_space<vmem>>) target(%dma_start3A_59 : memref<128x128xf32, #tpu.memory_space<vmem_shared>>) target_semaphore(%run_scoped3A : memref<!tpu.dma_semaphore, #tpu.memory_space<semaphore_mem>>)
      %dma_wait3A = arith.constant 0 : i32
      %dma_wait3A_60 = tpu.memref_slice %arg10[%add3A_26, %dma_wait3A] : memref<10240x128xf32, #tpu.memory_space<vmem_shared>> -> memref<128x128xf32, #tpu.memory_space<vmem_shared>>
      %dma_wait3A_61 = arith.constant 0 : i32
      %dma_wait3A_62 = tpu.memref_slice %arg10[%add3A_26, %dma_wait3A_61] : memref<10240x128xf32, #tpu.memory_space<vmem_shared>> -> memref<128x128xf32, #tpu.memory_space<vmem_shared>>
      tpu.wait_dma2 semaphore(%run_scoped3A : memref<!tpu.dma_semaphore, #tpu.memory_space<semaphore_mem>>) src(%arg9 : memref<128x128xf32, #tpu.memory_space<vmem>>) dst(%dma_wait3A_62 : memref<128x128xf32, #tpu.memory_space<vmem_shared>>)
      tpu.yield
    }) : () -> ()
    %barrier3A = arith.constant 0 : index
    tpu.barrier barrier_id(%barrier3A)
    %mul3A_27 = arith.constant 10000 : i32
    %mul3A_28 = arith.muli %add3A, %mul3A_27 : i32
    %scan3A_29 = arith.constant 0 : i32
    %scan3A_30 = arith.constant 0 : i32
    %scan3A_31 = arith.constant 125 : i32
    %scan3A_32 = arith.addi %scan3A_30, %scan3A_31 : i32
    %scan3A_33 = arith.constant 1 : i32
    %scan3A_34 = scf.for %scan3A_57 = %scan3A_30 to %scan3A_32 step %scan3A_33 iter_args(%scan3A_58 = %scan3A_29) -> (i32)  : i32 {
      %mul3A_59 = arith.constant 80 : i32
      %mul3A_60 = arith.muli %scan3A_57, %mul3A_59 : i32
      %add3A_61 = arith.addi %mul3A_28, %mul3A_60 : i32
      "tpu.region"() ({
        %run_scoped3A = tpu.sem_alloc : memref<!tpu.dma_semaphore, #tpu.memory_space<semaphore_mem>>
        %dma_start3A_67 = tpu.memref_slice %arg3[%add3A_61] : memref<320000xi32, #tpu.memory_space<hbm>> -> memref<80xi32, #tpu.memory_space<hbm>>
        %dma_start3A_68 = tpu.memref_slice %arg3[%add3A_61] : memref<320000xi32, #tpu.memory_space<hbm>> -> memref<80xi32, #tpu.memory_space<hbm>>
        tpu.enqueue_dma source(%dma_start3A_68 : memref<80xi32, #tpu.memory_space<hbm>>) target(%arg6 : memref<80xi32, #tpu.memory_space<vmem>>) target_semaphore(%run_scoped3A : memref<!tpu.dma_semaphore, #tpu.memory_space<semaphore_mem>>)
        %dma_wait3A_69 = tpu.memref_slice %arg3[%add3A_61] : memref<320000xi32, #tpu.memory_space<hbm>> -> memref<80xi32, #tpu.memory_space<hbm>>
        %dma_wait3A_70 = tpu.memref_slice %arg3[%add3A_61] : memref<320000xi32, #tpu.memory_space<hbm>> -> memref<80xi32, #tpu.memory_space<hbm>>
        tpu.wait_dma2 semaphore(%run_scoped3A : memref<!tpu.dma_semaphore, #tpu.memory_space<semaphore_mem>>) src(%dma_wait3A_70 : memref<80xi32, #tpu.memory_space<hbm>>) dst(%arg6 : memref<80xi32, #tpu.memory_space<vmem>>)
        tpu.yield
      }) : () -> ()
      "tpu.region"() ({
        %run_scoped3A = tpu.sem_alloc : memref<!tpu.dma_semaphore, #tpu.memory_space<semaphore_mem>>
        %dma_start3A_67 = tpu.memref_slice %arg4[%add3A_61] : memref<320000xi32, #tpu.memory_space<hbm>> -> memref<80xi32, #tpu.memory_space<hbm>>
        %dma_start3A_68 = tpu.memref_slice %arg4[%add3A_61] : memref<320000xi32, #tpu.memory_space<hbm>> -> memref<80xi32, #tpu.memory_space<hbm>>
        tpu.enqueue_dma source(%dma_start3A_68 : memref<80xi32, #tpu.memory_space<hbm>>) target(%arg7 : memref<80xi32, #tpu.memory_space<vmem>>) target_semaphore(%run_scoped3A : memref<!tpu.dma_semaphore, #tpu.memory_space<semaphore_mem>>)
        %dma_wait3A_69 = tpu.memref_slice %arg4[%add3A_61] : memref<320000xi32, #tpu.memory_space<hbm>> -> memref<80xi32, #tpu.memory_space<hbm>>
        %dma_wait3A_70 = tpu.memref_slice %arg4[%add3A_61] : memref<320000xi32, #tpu.memory_space<hbm>> -> memref<80xi32, #tpu.memory_space<hbm>>
        tpu.wait_dma2 semaphore(%run_scoped3A : memref<!tpu.dma_semaphore, #tpu.memory_space<semaphore_mem>>) src(%dma_wait3A_70 : memref<80xi32, #tpu.memory_space<hbm>>) dst(%arg7 : memref<80xi32, #tpu.memory_space<vmem>>)
        tpu.yield
      }) : () -> ()
      %dma_start3A = arith.constant 0 : i32
      %dma_start3A_62 = arith.constant 0 : i32
      %dma_start3A_63 = tpu.memref_slice %arg2[%dma_start3A, %dma_start3A_62] : memref<10000x128xf32, #tpu.memory_space<hbm>> -> memref<10000x128xf32, #tpu.memory_space<hbm>>
      tpu.enqueue_indirect_dma source(%dma_start3A_63 : memref<10000x128xf32, #tpu.memory_space<hbm>>) target(%arg8 : memref<80x128xf32, #tpu.memory_space<vmem>>) offsets(%arg6 : memref<80xi32, #tpu.memory_space<vmem>>) semaphore(%arg11 : memref<!tpu.dma_semaphore, #tpu.memory_space<semaphore_mem>>)
      %dma_wait3A = arith.constant 0 : i32
      %dma_wait3A_64 = arith.constant 0 : i32
      %dma_wait3A_65 = tpu.memref_slice %arg2[%dma_wait3A, %dma_wait3A_64] : memref<10000x128xf32, #tpu.memory_space<hbm>> -> memref<10000x128xf32, #tpu.memory_space<hbm>>
      tpu.wait_indirect_dma semaphore(%arg11 : memref<!tpu.dma_semaphore, #tpu.memory_space<semaphore_mem>>) src(%dma_wait3A_65 : memref<10000x128xf32, #tpu.memory_space<hbm>>) dst(%arg8 : memref<80x128xf32, #tpu.memory_space<vmem>>)
      "tpu.region"() ({
        %run_scoped3A = tpu.sem_alloc : memref<!tpu.dma_semaphore, #tpu.memory_space<semaphore_mem>>
        %dma_start3A_67 = arith.constant 0 : i32
        %dma_start3A_68 = arith.constant 0 : i32
        %dma_start3A_69 = tpu.memref_slice %arg10[%dma_start3A_67, %dma_start3A_68] : memref<10240x128xf32, #tpu.memory_space<vmem_shared>> -> memref<10240x128xf32, #tpu.memory_space<vmem_shared>>
        tpu.enqueue_indirect_dma source(%arg8 : memref<80x128xf32, #tpu.memory_space<vmem>>) target(%dma_start3A_69 : memref<10240x128xf32, #tpu.memory_space<vmem_shared>>) offsets(%arg7 : memref<80xi32, #tpu.memory_space<vmem>>) semaphore(%run_scoped3A : memref<!tpu.dma_semaphore, #tpu.memory_space<semaphore_mem>>) {add = true}
        %dma_wait3A_70 = arith.constant 0 : i32
        %dma_wait3A_71 = arith.constant 0 : i32
        %dma_wait3A_72 = tpu.memref_slice %arg10[%dma_wait3A_70, %dma_wait3A_71] : memref<10240x128xf32, #tpu.memory_space<vmem_shared>> -> memref<10240x128xf32, #tpu.memory_space<vmem_shared>>
        tpu.wait_indirect_dma semaphore(%run_scoped3A : memref<!tpu.dma_semaphore, #tpu.memory_space<semaphore_mem>>) src(%arg8 : memref<80x128xf32, #tpu.memory_space<vmem>>) dst(%dma_wait3A_72 : memref<10240x128xf32, #tpu.memory_space<vmem_shared>>)
        tpu.yield
      }) : () -> ()
      %scan3A_66 = arith.constant 0 : i32
      scf.yield %scan3A_66 : i32
    }
    %scan3A_35 = arith.constant 125 : i32
    %barrier3A_36 = arith.constant 0 : index
    tpu.barrier barrier_id(%barrier3A_36)
    %mul3A_37 = arith.constant 640 : i32
    %mul3A_38 = arith.muli %arg1, %mul3A_37 : i32
    %add3A_39 = arith.constant 0 : i32
    %add3A_40 = arith.addi %mul3A_38, %add3A_39 : i32
    "tpu.region"() ({
      %run_scoped3A = tpu.sem_alloc : memref<!tpu.dma_semaphore, #tpu.memory_space<semaphore_mem>>
      %dma_start3A = arith.constant 0 : i32
      %dma_start3A_57 = tpu.memref_slice %arg5[%arg0, %add3A_40, %dma_start3A] : memref<2x10240x128xf32, #tpu.memory_space<hbm>> -> memref<1x128x128xf32, #tpu.memory_space<hbm>>
      %dma_start3A_58 = tpu.memref_squeeze %dma_start3A_57 : memref<1x128x128xf32, #tpu.memory_space<hbm>> -> memref<128x128xf32, #tpu.memory_space<hbm>>
      %dma_start3A_59 = arith.constant 0 : i32
      %dma_start3A_60 = tpu.memref_slice %arg10[%add3A_40, %dma_start3A_59] : memref<10240x128xf32, #tpu.memory_space<vmem_shared>> -> memref<128x128xf32, #tpu.memory_space<vmem_shared>>
      tpu.enqueue_dma source(%dma_start3A_60 : memref<128x128xf32, #tpu.memory_space<vmem_shared>>) target(%dma_start3A_58 : memref<128x128xf32, #tpu.memory_space<hbm>>) target_semaphore(%run_scoped3A : memref<!tpu.dma_semaphore, #tpu.memory_space<semaphore_mem>>)
      %dma_wait3A = arith.constant 0 : i32
      %dma_wait3A_61 = tpu.memref_slice %arg5[%arg0, %add3A_40, %dma_wait3A] : memref<2x10240x128xf32, #tpu.memory_space<hbm>> -> memref<1x128x128xf32, #tpu.memory_space<hbm>>
      %dma_wait3A_62 = tpu.memref_squeeze %dma_wait3A_61 : memref<1x128x128xf32, #tpu.memory_space<hbm>> -> memref<128x128xf32, #tpu.memory_space<hbm>>
      %dma_wait3A_63 = arith.constant 0 : i32
      %dma_wait3A_64 = tpu.memref_slice %arg10[%add3A_40, %dma_wait3A_63] : memref<10240x128xf32, #tpu.memory_space<vmem_shared>> -> memref<128x128xf32, #tpu.memory_space<vmem_shared>>
      tpu.wait_dma2 semaphore(%run_scoped3A : memref<!tpu.dma_semaphore, #tpu.memory_space<semaphore_mem>>) src(%dma_wait3A_64 : memref<128x128xf32, #tpu.memory_space<vmem_shared>>) dst(%dma_wait3A_62 : memref<128x128xf32, #tpu.memory_space<hbm>>)
      tpu.yield
    }) : () -> ()
    %mul3A_41 = arith.constant 640 : i32
    %mul3A_42 = arith.muli %arg1, %mul3A_41 : i32
    %add3A_43 = arith.constant 128 : i32
    %add3A_44 = arith.addi %mul3A_42, %add3A_43 : i32
    "tpu.region"() ({
      %run_scoped3A = tpu.sem_alloc : memref<!tpu.dma_semaphore, #tpu.memory_space<semaphore_mem>>
      %dma_start3A = arith.constant 0 : i32
      %dma_start3A_57 = tpu.memref_slice %arg5[%arg0, %add3A_44, %dma_start3A] : memref<2x10240x128xf32, #tpu.memory_space<hbm>> -> memref<1x128x128xf32, #tpu.memory_space<hbm>>
      %dma_start3A_58 = tpu.memref_squeeze %dma_start3A_57 : memref<1x128x128xf32, #tpu.memory_space<hbm>> -> memref<128x128xf32, #tpu.memory_space<hbm>>
      %dma_start3A_59 = arith.constant 0 : i32
      %dma_start3A_60 = tpu.memref_slice %arg10[%add3A_44, %dma_start3A_59] : memref<10240x128xf32, #tpu.memory_space<vmem_shared>> -> memref<128x128xf32, #tpu.memory_space<vmem_shared>>
      tpu.enqueue_dma source(%dma_start3A_60 : memref<128x128xf32, #tpu.memory_space<vmem_shared>>) target(%dma_start3A_58 : memref<128x128xf32, #tpu.memory_space<hbm>>) target_semaphore(%run_scoped3A : memref<!tpu.dma_semaphore, #tpu.memory_space<semaphore_mem>>)
      %dma_wait3A = arith.constant 0 : i32
      %dma_wait3A_61 = tpu.memref_slice %arg5[%arg0, %add3A_44, %dma_wait3A] : memref<2x10240x128xf32, #tpu.memory_space<hbm>> -> memref<1x128x128xf32, #tpu.memory_space<hbm>>
      %dma_wait3A_62 = tpu.memref_squeeze %dma_wait3A_61 : memref<1x128x128xf32, #tpu.memory_space<hbm>> -> memref<128x128xf32, #tpu.memory_space<hbm>>
      %dma_wait3A_63 = arith.constant 0 : i32
      %dma_wait3A_64 = tpu.memref_slice %arg10[%add3A_44, %dma_wait3A_63] : memref<10240x128xf32, #tpu.memory_space<vmem_shared>> -> memref<128x128xf32, #tpu.memory_space<vmem_shared>>
      tpu.wait_dma2 semaphore(%run_scoped3A : memref<!tpu.dma_semaphore, #tpu.memory_space<semaphore_mem>>) src(%dma_wait3A_64 : memref<128x128xf32, #tpu.memory_space<vmem_shared>>) dst(%dma_wait3A_62 : memref<128x128xf32, #tpu.memory_space<hbm>>)
      tpu.yield
    }) : () -> ()
    %mul3A_45 = arith.constant 640 : i32
    %mul3A_46 = arith.muli %arg1, %mul3A_45 : i32
    %add3A_47 = arith.constant 256 : i32
    %add3A_48 = arith.addi %mul3A_46, %add3A_47 : i32
    "tpu.region"() ({
      %run_scoped3A = tpu.sem_alloc : memref<!tpu.dma_semaphore, #tpu.memory_space<semaphore_mem>>
      %dma_start3A = arith.constant 0 : i32
      %dma_start3A_57 = tpu.memref_slice %arg5[%arg0, %add3A_48, %dma_start3A] : memref<2x10240x128xf32, #tpu.memory_space<hbm>> -> memref<1x128x128xf32, #tpu.memory_space<hbm>>
      %dma_start3A_58 = tpu.memref_squeeze %dma_start3A_57 : memref<1x128x128xf32, #tpu.memory_space<hbm>> -> memref<128x128xf32, #tpu.memory_space<hbm>>
      %dma_start3A_59 = arith.constant 0 : i32
      %dma_start3A_60 = tpu.memref_slice %arg10[%add3A_48, %dma_start3A_59] : memref<10240x128xf32, #tpu.memory_space<vmem_shared>> -> memref<128x128xf32, #tpu.memory_space<vmem_shared>>
      tpu.enqueue_dma source(%dma_start3A_60 : memref<128x128xf32, #tpu.memory_space<vmem_shared>>) target(%dma_start3A_58 : memref<128x128xf32, #tpu.memory_space<hbm>>) target_semaphore(%run_scoped3A : memref<!tpu.dma_semaphore, #tpu.memory_space<semaphore_mem>>)
      %dma_wait3A = arith.constant 0 : i32
      %dma_wait3A_61 = tpu.memref_slice %arg5[%arg0, %add3A_48, %dma_wait3A] : memref<2x10240x128xf32, #tpu.memory_space<hbm>> -> memref<1x128x128xf32, #tpu.memory_space<hbm>>
      %dma_wait3A_62 = tpu.memref_squeeze %dma_wait3A_61 : memref<1x128x128xf32, #tpu.memory_space<hbm>> -> memref<128x128xf32, #tpu.memory_space<hbm>>
      %dma_wait3A_63 = arith.constant 0 : i32
      %dma_wait3A_64 = tpu.memref_slice %arg10[%add3A_48, %dma_wait3A_63] : memref<10240x128xf32, #tpu.memory_space<vmem_shared>> -> memref<128x128xf32, #tpu.memory_space<vmem_shared>>
      tpu.wait_dma2 semaphore(%run_scoped3A : memref<!tpu.dma_semaphore, #tpu.memory_space<semaphore_mem>>) src(%dma_wait3A_64 : memref<128x128xf32, #tpu.memory_space<vmem_shared>>) dst(%dma_wait3A_62 : memref<128x128xf32, #tpu.memory_space<hbm>>)
      tpu.yield
    }) : () -> ()
    %mul3A_49 = arith.constant 640 : i32
    %mul3A_50 = arith.muli %arg1, %mul3A_49 : i32
    %add3A_51 = arith.constant 384 : i32
    %add3A_52 = arith.addi %mul3A_50, %add3A_51 : i32
    "tpu.region"() ({
      %run_scoped3A = tpu.sem_alloc : memref<!tpu.dma_semaphore, #tpu.memory_space<semaphore_mem>>
      %dma_start3A = arith.constant 0 : i32
      %dma_start3A_57 = tpu.memref_slice %arg5[%arg0, %add3A_52, %dma_start3A] : memref<2x10240x128xf32, #tpu.memory_space<hbm>> -> memref<1x128x128xf32, #tpu.memory_space<hbm>>
      %dma_start3A_58 = tpu.memref_squeeze %dma_start3A_57 : memref<1x128x128xf32, #tpu.memory_space<hbm>> -> memref<128x128xf32, #tpu.memory_space<hbm>>
      %dma_start3A_59 = arith.constant 0 : i32
      %dma_start3A_60 = tpu.memref_slice %arg10[%add3A_52, %dma_start3A_59] : memref<10240x128xf32, #tpu.memory_space<vmem_shared>> -> memref<128x128xf32, #tpu.memory_space<vmem_shared>>
      tpu.enqueue_dma source(%dma_start3A_60 : memref<128x128xf32, #tpu.memory_space<vmem_shared>>) target(%dma_start3A_58 : memref<128x128xf32, #tpu.memory_space<hbm>>) target_semaphore(%run_scoped3A : memref<!tpu.dma_semaphore, #tpu.memory_space<semaphore_mem>>)
      %dma_wait3A = arith.constant 0 : i32
      %dma_wait3A_61 = tpu.memref_slice %arg5[%arg0, %add3A_52, %dma_wait3A] : memref<2x10240x128xf32, #tpu.memory_space<hbm>> -> memref<1x128x128xf32, #tpu.memory_space<hbm>>
      %dma_wait3A_62 = tpu.memref_squeeze %dma_wait3A_61 : memref<1x128x128xf32, #tpu.memory_space<hbm>> -> memref<128x128xf32, #tpu.memory_space<hbm>>
      %dma_wait3A_63 = arith.constant 0 : i32
      %dma_wait3A_64 = tpu.memref_slice %arg10[%add3A_52, %dma_wait3A_63] : memref<10240x128xf32, #tpu.memory_space<vmem_shared>> -> memref<128x128xf32, #tpu.memory_space<vmem_shared>>
      tpu.wait_dma2 semaphore(%run_scoped3A : memref<!tpu.dma_semaphore, #tpu.memory_space<semaphore_mem>>) src(%dma_wait3A_64 : memref<128x128xf32, #tpu.memory_space<vmem_shared>>) dst(%dma_wait3A_62 : memref<128x128xf32, #tpu.memory_space<hbm>>)
      tpu.yield
    }) : () -> ()
    %mul3A_53 = arith.constant 640 : i32
    %mul3A_54 = arith.muli %arg1, %mul3A_53 : i32
    %add3A_55 = arith.constant 512 : i32
    %add3A_56 = arith.addi %mul3A_54, %add3A_55 : i32
    "tpu.region"() ({
      %run_scoped3A = tpu.sem_alloc : memref<!tpu.dma_semaphore, #tpu.memory_space<semaphore_mem>>
      %dma_start3A = arith.constant 0 : i32
      %dma_start3A_57 = tpu.memref_slice %arg5[%arg0, %add3A_56, %dma_start3A] : memref<2x10240x128xf32, #tpu.memory_space<hbm>> -> memref<1x128x128xf32, #tpu.memory_space<hbm>>
      %dma_start3A_58 = tpu.memref_squeeze %dma_start3A_57 : memref<1x128x128xf32, #tpu.memory_space<hbm>> -> memref<128x128xf32, #tpu.memory_space<hbm>>
      %dma_start3A_59 = arith.constant 0 : i32
      %dma_start3A_60 = tpu.memref_slice %arg10[%add3A_56, %dma_start3A_59] : memref<10240x128xf32, #tpu.memory_space<vmem_shared>> -> memref<128x128xf32, #tpu.memory_space<vmem_shared>>
      tpu.enqueue_dma source(%dma_start3A_60 : memref<128x128xf32, #tpu.memory_space<vmem_shared>>) target(%dma_start3A_58 : memref<128x128xf32, #tpu.memory_space<hbm>>) target_semaphore(%run_scoped3A : memref<!tpu.dma_semaphore, #tpu.memory_space<semaphore_mem>>)
      %dma_wait3A = arith.constant 0 : i32
      %dma_wait3A_61 = tpu.memref_slice %arg5[%arg0, %add3A_56, %dma_wait3A] : memref<2x10240x128xf32, #tpu.memory_space<hbm>> -> memref<1x128x128xf32, #tpu.memory_space<hbm>>
      %dma_wait3A_62 = tpu.memref_squeeze %dma_wait3A_61 : memref<1x128x128xf32, #tpu.memory_space<hbm>> -> memref<128x128xf32, #tpu.memory_space<hbm>>
      %dma_wait3A_63 = arith.constant 0 : i32
      %dma_wait3A_64 = tpu.memref_slice %arg10[%add3A_56, %dma_wait3A_63] : memref<10240x128xf32, #tpu.memory_space<vmem_shared>> -> memref<128x128xf32, #tpu.memory_space<vmem_shared>>
      tpu.wait_dma2 semaphore(%run_scoped3A : memref<!tpu.dma_semaphore, #tpu.memory_space<semaphore_mem>>) src(%dma_wait3A_64 : memref<128x128xf32, #tpu.memory_space<vmem_shared>>) dst(%dma_wait3A_62 : memref<128x128xf32, #tpu.memory_space<hbm>>)
      tpu.yield
    }) : () -> ()
    return
  }
}

#map = affine_map<(d0, d1) -> (0)>
#map1 = affine_map<(d0, d1) -> (0, 0)>
module attributes {stable_mosaic.version = 14 : i64} {
  func.func @_deg_body(%arg0: i32, %arg1: i32, %arg2: memref<320000xi32, #tpu.memory_space<hbm>>, %arg3: memref<320000xi32, #tpu.memory_space<hbm>>, %arg4: memref<2x10240xf32, #tpu.memory_space<hbm>>, %arg5: memref<2x10240xf32, #tpu.memory_space<hbm>>, %arg6: memref<400xi32, #tpu.memory_space<vmem>>, %arg7: memref<400xi32, #tpu.memory_space<vmem>>, %arg8: memref<10240xf32, #tpu.memory_space<vmem>>, %arg9: memref<10240xf32, #tpu.memory_space<vmem>>, %arg10: memref<16x640xf32, #tpu.memory_space<vmem>>, %arg11: memref<640xf32, #tpu.memory_space<vmem>>, %arg12: memref<16x10240xf32, #tpu.memory_space<vmem_shared>>, %arg13: memref<16x10240xf32, #tpu.memory_space<vmem_shared>>) attributes {dimension_semantics = [#tpu.dimension_semantics<core_parallel>, #tpu.dimension_semantics<subcore_parallel>], iteration_bounds = array<i64: 2, 16>, scalar_prefetch = 0 : i64, scratch_operands = 8 : i64, tpu.core_type = #tpu.core_type<sc_vector_subcore>, window_params = [{transform_indices = #map}, {transform_indices = #map}, {transform_indices = #map1}, {transform_indices = #map1}]} {
    %mul3A = arith.constant 2 : i32
    %mul3A_0 = arith.muli %arg1, %mul3A : i32
    %add3A = arith.addi %mul3A_0, %arg0 : i32
    %broadcast_in_dim3A = arith.constant 1.000000e+00 : f32
    %broadcast_in_dim3A_1 = vector.broadcast %broadcast_in_dim3A : f32 to vector<16xf32>
    %broadcast_in_dim3A_2 = arith.constant 0.000000e+00 : f32
    %broadcast_in_dim3A_3 = vector.broadcast %broadcast_in_dim3A_2 : f32 to vector<16xf32>
    %scan3A = arith.constant 0 : i32
    %scan3A_4 = arith.constant 0 : i32
    %scan3A_5 = arith.constant 640 : i32
    %scan3A_6 = arith.addi %scan3A_4, %scan3A_5 : i32
    %scan3A_7 = arith.constant 1 : i32
    %scan3A_8 = scf.for %scan3A_35 = %scan3A_4 to %scan3A_6 step %scan3A_7 iter_args(%scan3A_36 = %scan3A) -> (i32)  : i32 {
      %mul3A_37 = arith.constant 16 : i32
      %mul3A_38 = arith.muli %scan3A_35, %mul3A_37 : i32
      %swap3A = arith.index_cast %mul3A_38 : i32 to index
      %swap3A_39 = tpu.vector_load %arg8[%swap3A] {strides = array<i32>} : memref<10240xf32, #tpu.memory_space<vmem>>, vector<16xf32>,
      tpu.vector_store %arg8[%swap3A], %broadcast_in_dim3A_3 {strides = array<i32>} : memref<10240xf32, #tpu.memory_space<vmem>>, vector<16xf32>,
      %mul3A_40 = arith.constant 16 : i32
      %mul3A_41 = arith.muli %scan3A_35, %mul3A_40 : i32
      %swap3A_42 = arith.index_cast %mul3A_41 : i32 to index
      %swap3A_43 = tpu.vector_load %arg9[%swap3A_42] {strides = array<i32>} : memref<10240xf32, #tpu.memory_space<vmem>>, vector<16xf32>,
      tpu.vector_store %arg9[%swap3A_42], %broadcast_in_dim3A_3 {strides = array<i32>} : memref<10240xf32, #tpu.memory_space<vmem>>, vector<16xf32>,
      %scan3A_44 = arith.constant 0 : i32
      scf.yield %scan3A_44 : i32
    }
    %scan3A_9 = arith.constant 640 : i32
    %mul3A_10 = arith.constant 10000 : i32
    %mul3A_11 = arith.muli %add3A, %mul3A_10 : i32
    %scan3A_12 = arith.constant 0 : i32
    %scan3A_13 = arith.constant 0 : i32
    %scan3A_14 = arith.constant 25 : i32
    %scan3A_15 = arith.addi %scan3A_13, %scan3A_14 : i32
    %scan3A_16 = arith.constant 1 : i32
    %scan3A_17 = scf.for %scan3A_35 = %scan3A_13 to %scan3A_15 step %scan3A_16 iter_args(%scan3A_36 = %scan3A_12) -> (i32)  : i32 {
      %mul3A_37 = arith.constant 400 : i32
      %mul3A_38 = arith.muli %scan3A_35, %mul3A_37 : i32
      %add3A_39 = arith.addi %mul3A_11, %mul3A_38 : i32
      "tpu.region"() ({
        %run_scoped3A = tpu.sem_alloc : memref<!tpu.dma_semaphore, #tpu.memory_space<semaphore_mem>>
        %dma_start3A = tpu.memref_slice %arg2[%add3A_39] : memref<320000xi32, #tpu.memory_space<hbm>> -> memref<400xi32, #tpu.memory_space<hbm>>
        %dma_start3A_140 = tpu.memref_slice %arg2[%add3A_39] : memref<320000xi32, #tpu.memory_space<hbm>> -> memref<400xi32, #tpu.memory_space<hbm>>
        tpu.enqueue_dma source(%dma_start3A_140 : memref<400xi32, #tpu.memory_space<hbm>>) target(%arg6 : memref<400xi32, #tpu.memory_space<vmem>>) target_semaphore(%run_scoped3A : memref<!tpu.dma_semaphore, #tpu.memory_space<semaphore_mem>>)
        %dma_wait3A = tpu.memref_slice %arg2[%add3A_39] : memref<320000xi32, #tpu.memory_space<hbm>> -> memref<400xi32, #tpu.memory_space<hbm>>
        %dma_wait3A_141 = tpu.memref_slice %arg2[%add3A_39] : memref<320000xi32, #tpu.memory_space<hbm>> -> memref<400xi32, #tpu.memory_space<hbm>>
        tpu.wait_dma2 semaphore(%run_scoped3A : memref<!tpu.dma_semaphore, #tpu.memory_space<semaphore_mem>>) src(%dma_wait3A_141 : memref<400xi32, #tpu.memory_space<hbm>>) dst(%arg6 : memref<400xi32, #tpu.memory_space<vmem>>)
        tpu.yield
      }) : () -> ()
      "tpu.region"() ({
        %run_scoped3A = tpu.sem_alloc : memref<!tpu.dma_semaphore, #tpu.memory_space<semaphore_mem>>
        %dma_start3A = tpu.memref_slice %arg3[%add3A_39] : memref<320000xi32, #tpu.memory_space<hbm>> -> memref<400xi32, #tpu.memory_space<hbm>>
        %dma_start3A_140 = tpu.memref_slice %arg3[%add3A_39] : memref<320000xi32, #tpu.memory_space<hbm>> -> memref<400xi32, #tpu.memory_space<hbm>>
        tpu.enqueue_dma source(%dma_start3A_140 : memref<400xi32, #tpu.memory_space<hbm>>) target(%arg7 : memref<400xi32, #tpu.memory_space<vmem>>) target_semaphore(%run_scoped3A : memref<!tpu.dma_semaphore, #tpu.memory_space<semaphore_mem>>)
        %dma_wait3A = tpu.memref_slice %arg3[%add3A_39] : memref<320000xi32, #tpu.memory_space<hbm>> -> memref<400xi32, #tpu.memory_space<hbm>>
        %dma_wait3A_141 = tpu.memref_slice %arg3[%add3A_39] : memref<320000xi32, #tpu.memory_space<hbm>> -> memref<400xi32, #tpu.memory_space<hbm>>
        tpu.wait_dma2 semaphore(%run_scoped3A : memref<!tpu.dma_semaphore, #tpu.memory_space<semaphore_mem>>) src(%dma_wait3A_141 : memref<400xi32, #tpu.memory_space<hbm>>) dst(%arg7 : memref<400xi32, #tpu.memory_space<vmem>>)
        tpu.yield
      }) : () -> ()
      %get3A = arith.constant 0 : index
      %get3A_40 = tpu.vector_load %arg6[%get3A] {strides = array<i32>} : memref<400xi32, #tpu.memory_space<vmem>>, vector<16xi32>,
      tpu.vector_store_idx %arg8[%get3A_40], %broadcast_in_dim3A_1 {add = true} : memref<10240xf32, #tpu.memory_space<vmem>>[vector<16xi32>], vector<16xf32>,
      %get3A_41 = arith.constant 0 : index
      %get3A_42 = tpu.vector_load %arg7[%get3A_41] {strides = array<i32>} : memref<400xi32, #tpu.memory_space<vmem>>, vector<16xi32>,
      tpu.vector_store_idx %arg9[%get3A_42], %broadcast_in_dim3A_1 {add = true} : memref<10240xf32, #tpu.memory_space<vmem>>[vector<16xi32>], vector<16xf32>,
      %get3A_43 = arith.constant 16 : index
      %get3A_44 = tpu.vector_load %arg6[%get3A_43] {strides = array<i32>} : memref<400xi32, #tpu.memory_space<vmem>>, vector<16xi32>,
      tpu.vector_store_idx %arg8[%get3A_44], %broadcast_in_dim3A_1 {add = true} : memref<10240xf32, #tpu.memory_space<vmem>>[vector<16xi32>], vector<16xf32>,
      %get3A_45 = arith.constant 16 : index
      %get3A_46 = tpu.vector_load %arg7[%get3A_45] {strides = array<i32>} : memref<400xi32, #tpu.memory_space<vmem>>, vector<16xi32>,
      tpu.vector_store_idx %arg9[%get3A_46], %broadcast_in_dim3A_1 {add = true} : memref<10240xf32, #tpu.memory_space<vmem>>[vector<16xi32>], vector<16xf32>,
      %get3A_47 = arith.constant 32 : index
      %get3A_48 = tpu.vector_load %arg6[%get3A_47] {strides = array<i32>} : memref<400xi32, #tpu.memory_space<vmem>>, vector<16xi32>,
      tpu.vector_store_idx %arg8[%get3A_48], %broadcast_in_dim3A_1 {add = true} : memref<10240xf32, #tpu.memory_space<vmem>>[vector<16xi32>], vector<16xf32>,
      %get3A_49 = arith.constant 32 : index
      %get3A_50 = tpu.vector_load %arg7[%get3A_49] {strides = array<i32>} : memref<400xi32, #tpu.memory_space<vmem>>, vector<16xi32>,
      tpu.vector_store_idx %arg9[%get3A_50], %broadcast_in_dim3A_1 {add = true} : memref<10240xf32, #tpu.memory_space<vmem>>[vector<16xi32>], vector<16xf32>,
      %get3A_51 = arith.constant 48 : index
      %get3A_52 = tpu.vector_load %arg6[%get3A_51] {strides = array<i32>} : memref<400xi32, #tpu.memory_space<vmem>>, vector<16xi32>,
      tpu.vector_store_idx %arg8[%get3A_52], %broadcast_in_dim3A_1 {add = true} : memref<10240xf32, #tpu.memory_space<vmem>>[vector<16xi32>], vector<16xf32>,
      %get3A_53 = arith.constant 48 : index
      %get3A_54 = tpu.vector_load %arg7[%get3A_53] {strides = array<i32>} : memref<400xi32, #tpu.memory_space<vmem>>, vector<16xi32>,
      tpu.vector_store_idx %arg9[%get3A_54], %broadcast_in_dim3A_1 {add = true} : memref<10240xf32, #tpu.memory_space<vmem>>[vector<16xi32>], vector<16xf32>,
      %get3A_55 = arith.constant 64 : index
      %get3A_56 = tpu.vector_load %arg6[%get3A_55] {strides = array<i32>} : memref<400xi32, #tpu.memory_space<vmem>>, vector<16xi32>,
      tpu.vector_store_idx %arg8[%get3A_56], %broadcast_in_dim3A_1 {add = true} : memref<10240xf32, #tpu.memory_space<vmem>>[vector<16xi32>], vector<16xf32>,
      %get3A_57 = arith.constant 64 : index
      %get3A_58 = tpu.vector_load %arg7[%get3A_57] {strides = array<i32>} : memref<400xi32, #tpu.memory_space<vmem>>, vector<16xi32>,
      tpu.vector_store_idx %arg9[%get3A_58], %broadcast_in_dim3A_1 {add = true} : memref<10240xf32, #tpu.memory_space<vmem>>[vector<16xi32>], vector<16xf32>,
      %get3A_59 = arith.constant 80 : index
      %get3A_60 = tpu.vector_load %arg6[%get3A_59] {strides = array<i32>} : memref<400xi32, #tpu.memory_space<vmem>>, vector<16xi32>,
      tpu.vector_store_idx %arg8[%get3A_60], %broadcast_in_dim3A_1 {add = true} : memref<10240xf32, #tpu.memory_space<vmem>>[vector<16xi32>], vector<16xf32>,
      %get3A_61 = arith.constant 80 : index
      %get3A_62 = tpu.vector_load %arg7[%get3A_61] {strides = array<i32>} : memref<400xi32, #tpu.memory_space<vmem>>, vector<16xi32>,
      tpu.vector_store_idx %arg9[%get3A_62], %broadcast_in_dim3A_1 {add = true} : memref<10240xf32, #tpu.memory_space<vmem>>[vector<16xi32>], vector<16xf32>,
      %get3A_63 = arith.constant 96 : index
      %get3A_64 = tpu.vector_load %arg6[%get3A_63] {strides = array<i32>} : memref<400xi32, #tpu.memory_space<vmem>>, vector<16xi32>,
      tpu.vector_store_idx %arg8[%get3A_64], %broadcast_in_dim3A_1 {add = true} : memref<10240xf32, #tpu.memory_space<vmem>>[vector<16xi32>], vector<16xf32>,
      %get3A_65 = arith.constant 96 : index
      %get3A_66 = tpu.vector_load %arg7[%get3A_65] {strides = array<i32>} : memref<400xi32, #tpu.memory_space<vmem>>, vector<16xi32>,
      tpu.vector_store_idx %arg9[%get3A_66], %broadcast_in_dim3A_1 {add = true} : memref<10240xf32, #tpu.memory_space<vmem>>[vector<16xi32>], vector<16xf32>,
      %get3A_67 = arith.constant 112 : index
      %get3A_68 = tpu.vector_load %arg6[%get3A_67] {strides = array<i32>} : memref<400xi32, #tpu.memory_space<vmem>>, vector<16xi32>,
      tpu.vector_store_idx %arg8[%get3A_68], %broadcast_in_dim3A_1 {add = true} : memref<10240xf32, #tpu.memory_space<vmem>>[vector<16xi32>], vector<16xf32>,
      %get3A_69 = arith.constant 112 : index
      %get3A_70 = tpu.vector_load %arg7[%get3A_69] {strides = array<i32>} : memref<400xi32, #tpu.memory_space<vmem>>, vector<16xi32>,
      tpu.vector_store_idx %arg9[%get3A_70], %broadcast_in_dim3A_1 {add = true} : memref<10240xf32, #tpu.memory_space<vmem>>[vector<16xi32>], vector<16xf32>,
      %get3A_71 = arith.constant 128 : index
      %get3A_72 = tpu.vector_load %arg6[%get3A_71] {strides = array<i32>} : memref<400xi32, #tpu.memory_space<vmem>>, vector<16xi32>,
      tpu.vector_store_idx %arg8[%get3A_72], %broadcast_in_dim3A_1 {add = true} : memref<10240xf32, #tpu.memory_space<vmem>>[vector<16xi32>], vector<16xf32>,
      %get3A_73 = arith.constant 128 : index
      %get3A_74 = tpu.vector_load %arg7[%get3A_73] {strides = array<i32>} : memref<400xi32, #tpu.memory_space<vmem>>, vector<16xi32>,
      tpu.vector_store_idx %arg9[%get3A_74], %broadcast_in_dim3A_1 {add = true} : memref<10240xf32, #tpu.memory_space<vmem>>[vector<16xi32>], vector<16xf32>,
      %get3A_75 = arith.constant 144 : index
      %get3A_76 = tpu.vector_load %arg6[%get3A_75] {strides = array<i32>} : memref<400xi32, #tpu.memory_space<vmem>>, vector<16xi32>,
      tpu.vector_store_idx %arg8[%get3A_76], %broadcast_in_dim3A_1 {add = true} : memref<10240xf32, #tpu.memory_space<vmem>>[vector<16xi32>], vector<16xf32>,
      %get3A_77 = arith.constant 144 : index
      %get3A_78 = tpu.vector_load %arg7[%get3A_77] {strides = array<i32>} : memref<400xi32, #tpu.memory_space<vmem>>, vector<16xi32>,
      tpu.vector_store_idx %arg9[%get3A_78], %broadcast_in_dim3A_1 {add = true} : memref<10240xf32, #tpu.memory_space<vmem>>[vector<16xi32>], vector<16xf32>,
      %get3A_79 = arith.constant 160 : index
      %get3A_80 = tpu.vector_load %arg6[%get3A_79] {strides = array<i32>} : memref<400xi32, #tpu.memory_space<vmem>>, vector<16xi32>,
      tpu.vector_store_idx %arg8[%get3A_80], %broadcast_in_dim3A_1 {add = true} : memref<10240xf32, #tpu.memory_space<vmem>>[vector<16xi32>], vector<16xf32>,
      %get3A_81 = arith.constant 160 : index
      %get3A_82 = tpu.vector_load %arg7[%get3A_81] {strides = array<i32>} : memref<400xi32, #tpu.memory_space<vmem>>, vector<16xi32>,
      tpu.vector_store_idx %arg9[%get3A_82], %broadcast_in_dim3A_1 {add = true} : memref<10240xf32, #tpu.memory_space<vmem>>[vector<16xi32>], vector<16xf32>,
      %get3A_83 = arith.constant 176 : index
      %get3A_84 = tpu.vector_load %arg6[%get3A_83] {strides = array<i32>} : memref<400xi32, #tpu.memory_space<vmem>>, vector<16xi32>,
      tpu.vector_store_idx %arg8[%get3A_84], %broadcast_in_dim3A_1 {add = true} : memref<10240xf32, #tpu.memory_space<vmem>>[vector<16xi32>], vector<16xf32>,
      %get3A_85 = arith.constant 176 : index
      %get3A_86 = tpu.vector_load %arg7[%get3A_85] {strides = array<i32>} : memref<400xi32, #tpu.memory_space<vmem>>, vector<16xi32>,
      tpu.vector_store_idx %arg9[%get3A_86], %broadcast_in_dim3A_1 {add = true} : memref<10240xf32, #tpu.memory_space<vmem>>[vector<16xi32>], vector<16xf32>,
      %get3A_87 = arith.constant 192 : index
      %get3A_88 = tpu.vector_load %arg6[%get3A_87] {strides = array<i32>} : memref<400xi32, #tpu.memory_space<vmem>>, vector<16xi32>,
      tpu.vector_store_idx %arg8[%get3A_88], %broadcast_in_dim3A_1 {add = true} : memref<10240xf32, #tpu.memory_space<vmem>>[vector<16xi32>], vector<16xf32>,
      %get3A_89 = arith.constant 192 : index
      %get3A_90 = tpu.vector_load %arg7[%get3A_89] {strides = array<i32>} : memref<400xi32, #tpu.memory_space<vmem>>, vector<16xi32>,
      tpu.vector_store_idx %arg9[%get3A_90], %broadcast_in_dim3A_1 {add = true} : memref<10240xf32, #tpu.memory_space<vmem>>[vector<16xi32>], vector<16xf32>,
      %get3A_91 = arith.constant 208 : index
      %get3A_92 = tpu.vector_load %arg6[%get3A_91] {strides = array<i32>} : memref<400xi32, #tpu.memory_space<vmem>>, vector<16xi32>,
      tpu.vector_store_idx %arg8[%get3A_92], %broadcast_in_dim3A_1 {add = true} : memref<10240xf32, #tpu.memory_space<vmem>>[vector<16xi32>], vector<16xf32>,
      %get3A_93 = arith.constant 208 : index
      %get3A_94 = tpu.vector_load %arg7[%get3A_93] {strides = array<i32>} : memref<400xi32, #tpu.memory_space<vmem>>, vector<16xi32>,
      tpu.vector_store_idx %arg9[%get3A_94], %broadcast_in_dim3A_1 {add = true} : memref<10240xf32, #tpu.memory_space<vmem>>[vector<16xi32>], vector<16xf32>,
      %get3A_95 = arith.constant 224 : index
      %get3A_96 = tpu.vector_load %arg6[%get3A_95] {strides = array<i32>} : memref<400xi32, #tpu.memory_space<vmem>>, vector<16xi32>,
      tpu.vector_store_idx %arg8[%get3A_96], %broadcast_in_dim3A_1 {add = true} : memref<10240xf32, #tpu.memory_space<vmem>>[vector<16xi32>], vector<16xf32>,
      %get3A_97 = arith.constant 224 : index
      %get3A_98 = tpu.vector_load %arg7[%get3A_97] {strides = array<i32>} : memref<400xi32, #tpu.memory_space<vmem>>, vector<16xi32>,
      tpu.vector_store_idx %arg9[%get3A_98], %broadcast_in_dim3A_1 {add = true} : memref<10240xf32, #tpu.memory_space<vmem>>[vector<16xi32>], vector<16xf32>,
      %get3A_99 = arith.constant 240 : index
      %get3A_100 = tpu.vector_load %arg6[%get3A_99] {strides = array<i32>} : memref<400xi32, #tpu.memory_space<vmem>>, vector<16xi32>,
      tpu.vector_store_idx %arg8[%get3A_100], %broadcast_in_dim3A_1 {add = true} : memref<10240xf32, #tpu.memory_space<vmem>>[vector<16xi32>], vector<16xf32>,
      %get3A_101 = arith.constant 240 : index
      %get3A_102 = tpu.vector_load %arg7[%get3A_101] {strides = array<i32>} : memref<400xi32, #tpu.memory_space<vmem>>, vector<16xi32>,
      tpu.vector_store_idx %arg9[%get3A_102], %broadcast_in_dim3A_1 {add = true} : memref<10240xf32, #tpu.memory_space<vmem>>[vector<16xi32>], vector<16xf32>,
      %get3A_103 = arith.constant 256 : index
      %get3A_104 = tpu.vector_load %arg6[%get3A_103] {strides = array<i32>} : memref<400xi32, #tpu.memory_space<vmem>>, vector<16xi32>,
      tpu.vector_store_idx %arg8[%get3A_104], %broadcast_in_dim3A_1 {add = true} : memref<10240xf32, #tpu.memory_space<vmem>>[vector<16xi32>], vector<16xf32>,
      %get3A_105 = arith.constant 256 : index
      %get3A_106 = tpu.vector_load %arg7[%get3A_105] {strides = array<i32>} : memref<400xi32, #tpu.memory_space<vmem>>, vector<16xi32>,
      tpu.vector_store_idx %arg9[%get3A_106], %broadcast_in_dim3A_1 {add = true} : memref<10240xf32, #tpu.memory_space<vmem>>[vector<16xi32>], vector<16xf32>,
      %get3A_107 = arith.constant 272 : index
      %get3A_108 = tpu.vector_load %arg6[%get3A_107] {strides = array<i32>} : memref<400xi32, #tpu.memory_space<vmem>>, vector<16xi32>,
      tpu.vector_store_idx %arg8[%get3A_108], %broadcast_in_dim3A_1 {add = true} : memref<10240xf32, #tpu.memory_space<vmem>>[vector<16xi32>], vector<16xf32>,
      %get3A_109 = arith.constant 272 : index
      %get3A_110 = tpu.vector_load %arg7[%get3A_109] {strides = array<i32>} : memref<400xi32, #tpu.memory_space<vmem>>, vector<16xi32>,
      tpu.vector_store_idx %arg9[%get3A_110], %broadcast_in_dim3A_1 {add = true} : memref<10240xf32, #tpu.memory_space<vmem>>[vector<16xi32>], vector<16xf32>,
      %get3A_111 = arith.constant 288 : index
      %get3A_112 = tpu.vector_load %arg6[%get3A_111] {strides = array<i32>} : memref<400xi32, #tpu.memory_space<vmem>>, vector<16xi32>,
      tpu.vector_store_idx %arg8[%get3A_112], %broadcast_in_dim3A_1 {add = true} : memref<10240xf32, #tpu.memory_space<vmem>>[vector<16xi32>], vector<16xf32>,
      %get3A_113 = arith.constant 288 : index
      %get3A_114 = tpu.vector_load %arg7[%get3A_113] {strides = array<i32>} : memref<400xi32, #tpu.memory_space<vmem>>, vector<16xi32>,
      tpu.vector_store_idx %arg9[%get3A_114], %broadcast_in_dim3A_1 {add = true} : memref<10240xf32, #tpu.memory_space<vmem>>[vector<16xi32>], vector<16xf32>,
      %get3A_115 = arith.constant 304 : index
      %get3A_116 = tpu.vector_load %arg6[%get3A_115] {strides = array<i32>} : memref<400xi32, #tpu.memory_space<vmem>>, vector<16xi32>,
      tpu.vector_store_idx %arg8[%get3A_116], %broadcast_in_dim3A_1 {add = true} : memref<10240xf32, #tpu.memory_space<vmem>>[vector<16xi32>], vector<16xf32>,
      %get3A_117 = arith.constant 304 : index
      %get3A_118 = tpu.vector_load %arg7[%get3A_117] {strides = array<i32>} : memref<400xi32, #tpu.memory_space<vmem>>, vector<16xi32>,
      tpu.vector_store_idx %arg9[%get3A_118], %broadcast_in_dim3A_1 {add = true} : memref<10240xf32, #tpu.memory_space<vmem>>[vector<16xi32>], vector<16xf32>,
      %get3A_119 = arith.constant 320 : index
      %get3A_120 = tpu.vector_load %arg6[%get3A_119] {strides = array<i32>} : memref<400xi32, #tpu.memory_space<vmem>>, vector<16xi32>,
      tpu.vector_store_idx %arg8[%get3A_120], %broadcast_in_dim3A_1 {add = true} : memref<10240xf32, #tpu.memory_space<vmem>>[vector<16xi32>], vector<16xf32>,
      %get3A_121 = arith.constant 320 : index
      %get3A_122 = tpu.vector_load %arg7[%get3A_121] {strides = array<i32>} : memref<400xi32, #tpu.memory_space<vmem>>, vector<16xi32>,
      tpu.vector_store_idx %arg9[%get3A_122], %broadcast_in_dim3A_1 {add = true} : memref<10240xf32, #tpu.memory_space<vmem>>[vector<16xi32>], vector<16xf32>,
      %get3A_123 = arith.constant 336 : index
      %get3A_124 = tpu.vector_load %arg6[%get3A_123] {strides = array<i32>} : memref<400xi32, #tpu.memory_space<vmem>>, vector<16xi32>,
      tpu.vector_store_idx %arg8[%get3A_124], %broadcast_in_dim3A_1 {add = true} : memref<10240xf32, #tpu.memory_space<vmem>>[vector<16xi32>], vector<16xf32>,
      %get3A_125 = arith.constant 336 : index
      %get3A_126 = tpu.vector_load %arg7[%get3A_125] {strides = array<i32>} : memref<400xi32, #tpu.memory_space<vmem>>, vector<16xi32>,
      tpu.vector_store_idx %arg9[%get3A_126], %broadcast_in_dim3A_1 {add = true} : memref<10240xf32, #tpu.memory_space<vmem>>[vector<16xi32>], vector<16xf32>,
      %get3A_127 = arith.constant 352 : index
      %get3A_128 = tpu.vector_load %arg6[%get3A_127] {strides = array<i32>} : memref<400xi32, #tpu.memory_space<vmem>>, vector<16xi32>,
      tpu.vector_store_idx %arg8[%get3A_128], %broadcast_in_dim3A_1 {add = true} : memref<10240xf32, #tpu.memory_space<vmem>>[vector<16xi32>], vector<16xf32>,
      %get3A_129 = arith.constant 352 : index
      %get3A_130 = tpu.vector_load %arg7[%get3A_129] {strides = array<i32>} : memref<400xi32, #tpu.memory_space<vmem>>, vector<16xi32>,
      tpu.vector_store_idx %arg9[%get3A_130], %broadcast_in_dim3A_1 {add = true} : memref<10240xf32, #tpu.memory_space<vmem>>[vector<16xi32>], vector<16xf32>,
      %get3A_131 = arith.constant 368 : index
      %get3A_132 = tpu.vector_load %arg6[%get3A_131] {strides = array<i32>} : memref<400xi32, #tpu.memory_space<vmem>>, vector<16xi32>,
      tpu.vector_store_idx %arg8[%get3A_132], %broadcast_in_dim3A_1 {add = true} : memref<10240xf32, #tpu.memory_space<vmem>>[vector<16xi32>], vector<16xf32>,
      %get3A_133 = arith.constant 368 : index
      %get3A_134 = tpu.vector_load %arg7[%get3A_133] {strides = array<i32>} : memref<400xi32, #tpu.memory_space<vmem>>, vector<16xi32>,
      tpu.vector_store_idx %arg9[%get3A_134], %broadcast_in_dim3A_1 {add = true} : memref<10240xf32, #tpu.memory_space<vmem>>[vector<16xi32>], vector<16xf32>,
      %get3A_135 = arith.constant 384 : index
      %get3A_136 = tpu.vector_load %arg6[%get3A_135] {strides = array<i32>} : memref<400xi32, #tpu.memory_space<vmem>>, vector<16xi32>,
      tpu.vector_store_idx %arg8[%get3A_136], %broadcast_in_dim3A_1 {add = true} : memref<10240xf32, #tpu.memory_space<vmem>>[vector<16xi32>], vector<16xf32>,
      %get3A_137 = arith.constant 384 : index
      %get3A_138 = tpu.vector_load %arg7[%get3A_137] {strides = array<i32>} : memref<400xi32, #tpu.memory_space<vmem>>, vector<16xi32>,
      tpu.vector_store_idx %arg9[%get3A_138], %broadcast_in_dim3A_1 {add = true} : memref<10240xf32, #tpu.memory_space<vmem>>[vector<16xi32>], vector<16xf32>,
      %scan3A_139 = arith.constant 0 : i32
      scf.yield %scan3A_139 : i32
    }
    %scan3A_18 = arith.constant 25 : i32
    "tpu.region"() ({
      %run_scoped3A = tpu.sem_alloc : memref<!tpu.dma_semaphore, #tpu.memory_space<semaphore_mem>>
      %dma_start3A = arith.constant 0 : i32
      %dma_start3A_35 = tpu.memref_slice %arg12[%arg1, %dma_start3A] : memref<16x10240xf32, #tpu.memory_space<vmem_shared>> -> memref<1x10240xf32, #tpu.memory_space<vmem_shared>>
      %dma_start3A_36 = tpu.memref_squeeze %dma_start3A_35 : memref<1x10240xf32, #tpu.memory_space<vmem_shared>> -> memref<10240xf32, #tpu.memory_space<vmem_shared>>
      %dma_start3A_37 = arith.constant 0 : i32
      %dma_start3A_38 = tpu.memref_slice %arg12[%arg1, %dma_start3A_37] : memref<16x10240xf32, #tpu.memory_space<vmem_shared>> -> memref<1x10240xf32, #tpu.memory_space<vmem_shared>>
      %dma_start3A_39 = tpu.memref_squeeze %dma_start3A_38 : memref<1x10240xf32, #tpu.memory_space<vmem_shared>> -> memref<10240xf32, #tpu.memory_space<vmem_shared>>
      tpu.enqueue_dma source(%arg8 : memref<10240xf32, #tpu.memory_space<vmem>>) target(%dma_start3A_39 : memref<10240xf32, #tpu.memory_space<vmem_shared>>) target_semaphore(%run_scoped3A : memref<!tpu.dma_semaphore, #tpu.memory_space<semaphore_mem>>)
      %dma_wait3A = arith.constant 0 : i32
      %dma_wait3A_40 = tpu.memref_slice %arg12[%arg1, %dma_wait3A] : memref<16x10240xf32, #tpu.memory_space<vmem_shared>> -> memref<1x10240xf32, #tpu.memory_space<vmem_shared>>
      %dma_wait3A_41 = tpu.memref_squeeze %dma_wait3A_40 : memref<1x10240xf32, #tpu.memory_space<vmem_shared>> -> memref<10240xf32, #tpu.memory_space<vmem_shared>>
      %dma_wait3A_42 = arith.constant 0 : i32
      %dma_wait3A_43 = tpu.memref_slice %arg12[%arg1, %dma_wait3A_42] : memref<16x10240xf32, #tpu.memory_space<vmem_shared>> -> memref<1x10240xf32, #tpu.memory_space<vmem_shared>>
      %dma_wait3A_44 = tpu.memref_squeeze %dma_wait3A_43 : memref<1x10240xf32, #tpu.memory_space<vmem_shared>> -> memref<10240xf32, #tpu.memory_space<vmem_shared>>
      tpu.wait_dma2 semaphore(%run_scoped3A : memref<!tpu.dma_semaphore, #tpu.memory_space<semaphore_mem>>) src(%arg8 : memref<10240xf32, #tpu.memory_space<vmem>>) dst(%dma_wait3A_44 : memref<10240xf32, #tpu.memory_space<vmem_shared>>)
      tpu.yield
    }) : () -> ()
    "tpu.region"() ({
      %run_scoped3A = tpu.sem_alloc : memref<!tpu.dma_semaphore, #tpu.memory_space<semaphore_mem>>
      %dma_start3A = arith.constant 0 : i32
      %dma_start3A_35 = tpu.memref_slice %arg13[%arg1, %dma_start3A] : memref<16x10240xf32, #tpu.memory_space<vmem_shared>> -> memref<1x10240xf32, #tpu.memory_space<vmem_shared>>
      %dma_start3A_36 = tpu.memref_squeeze %dma_start3A_35 : memref<1x10240xf32, #tpu.memory_space<vmem_shared>> -> memref<10240xf32, #tpu.memory_space<vmem_shared>>
      %dma_start3A_37 = arith.constant 0 : i32
      %dma_start3A_38 = tpu.memref_slice %arg13[%arg1, %dma_start3A_37] : memref<16x10240xf32, #tpu.memory_space<vmem_shared>> -> memref<1x10240xf32, #tpu.memory_space<vmem_shared>>
      %dma_start3A_39 = tpu.memref_squeeze %dma_start3A_38 : memref<1x10240xf32, #tpu.memory_space<vmem_shared>> -> memref<10240xf32, #tpu.memory_space<vmem_shared>>
      tpu.enqueue_dma source(%arg9 : memref<10240xf32, #tpu.memory_space<vmem>>) target(%dma_start3A_39 : memref<10240xf32, #tpu.memory_space<vmem_shared>>) target_semaphore(%run_scoped3A : memref<!tpu.dma_semaphore, #tpu.memory_space<semaphore_mem>>)
      %dma_wait3A = arith.constant 0 : i32
      %dma_wait3A_40 = tpu.memref_slice %arg13[%arg1, %dma_wait3A] : memref<16x10240xf32, #tpu.memory_space<vmem_shared>> -> memref<1x10240xf32, #tpu.memory_space<vmem_shared>>
      %dma_wait3A_41 = tpu.memref_squeeze %dma_wait3A_40 : memref<1x10240xf32, #tpu.memory_space<vmem_shared>> -> memref<10240xf32, #tpu.memory_space<vmem_shared>>
      %dma_wait3A_42 = arith.constant 0 : i32
      %dma_wait3A_43 = tpu.memref_slice %arg13[%arg1, %dma_wait3A_42] : memref<16x10240xf32, #tpu.memory_space<vmem_shared>> -> memref<1x10240xf32, #tpu.memory_space<vmem_shared>>
      %dma_wait3A_44 = tpu.memref_squeeze %dma_wait3A_43 : memref<1x10240xf32, #tpu.memory_space<vmem_shared>> -> memref<10240xf32, #tpu.memory_space<vmem_shared>>
      tpu.wait_dma2 semaphore(%run_scoped3A : memref<!tpu.dma_semaphore, #tpu.memory_space<semaphore_mem>>) src(%arg9 : memref<10240xf32, #tpu.memory_space<vmem>>) dst(%dma_wait3A_44 : memref<10240xf32, #tpu.memory_space<vmem_shared>>)
      tpu.yield
    }) : () -> ()
    %barrier3A = arith.constant 0 : index
    tpu.barrier barrier_id(%barrier3A)
    %mul3A_19 = arith.constant 640 : i32
    %mul3A_20 = arith.muli %arg1, %mul3A_19 : i32
    "tpu.region"() ({
      %run_scoped3A = tpu.sem_alloc : memref<!tpu.dma_semaphore, #tpu.memory_space<semaphore_mem>>
      %dma_start3A = arith.constant 0 : i32
      %dma_start3A_35 = tpu.memref_slice %arg12[%dma_start3A, %mul3A_20] : memref<16x10240xf32, #tpu.memory_space<vmem_shared>> -> memref<16x640xf32, #tpu.memory_space<vmem_shared>>
      %dma_start3A_36 = arith.constant 0 : i32
      %dma_start3A_37 = tpu.memref_slice %arg12[%dma_start3A_36, %mul3A_20] : memref<16x10240xf32, #tpu.memory_space<vmem_shared>> -> memref<16x640xf32, #tpu.memory_space<vmem_shared>>
      tpu.enqueue_dma source(%dma_start3A_37 : memref<16x640xf32, #tpu.memory_space<vmem_shared>>) target(%arg10 : memref<16x640xf32, #tpu.memory_space<vmem>>) target_semaphore(%run_scoped3A : memref<!tpu.dma_semaphore, #tpu.memory_space<semaphore_mem>>)
      %dma_wait3A = arith.constant 0 : i32
      %dma_wait3A_38 = tpu.memref_slice %arg12[%dma_wait3A, %mul3A_20] : memref<16x10240xf32, #tpu.memory_space<vmem_shared>> -> memref<16x640xf32, #tpu.memory_space<vmem_shared>>
      %dma_wait3A_39 = arith.constant 0 : i32
      %dma_wait3A_40 = tpu.memref_slice %arg12[%dma_wait3A_39, %mul3A_20] : memref<16x10240xf32, #tpu.memory_space<vmem_shared>> -> memref<16x640xf32, #tpu.memory_space<vmem_shared>>
      tpu.wait_dma2 semaphore(%run_scoped3A : memref<!tpu.dma_semaphore, #tpu.memory_space<semaphore_mem>>) src(%dma_wait3A_40 : memref<16x640xf32, #tpu.memory_space<vmem_shared>>) dst(%arg10 : memref<16x640xf32, #tpu.memory_space<vmem>>)
      tpu.yield
    }) : () -> ()
    %scan3A_21 = arith.constant 0 : i32
    %scan3A_22 = arith.constant 0 : i32
    %scan3A_23 = arith.constant 40 : i32
    %scan3A_24 = arith.addi %scan3A_22, %scan3A_23 : i32
    %scan3A_25 = arith.constant 1 : i32
    %scan3A_26 = scf.for %scan3A_35 = %scan3A_22 to %scan3A_24 step %scan3A_25 iter_args(%scan3A_36 = %scan3A_21) -> (i32)  : i32 {
      %mul3A_37 = arith.constant 16 : i32
      %mul3A_38 = arith.muli %scan3A_35, %mul3A_37 : i32
      %get3A = arith.constant 0 : i32
      %get3A_39 = arith.index_cast %get3A : i32 to index
      %get3A_40 = arith.index_cast %mul3A_38 : i32 to index
      %get3A_41 = tpu.vector_load %arg10[%get3A_39, %get3A_40] {strides = array<i32>} : memref<16x640xf32, #tpu.memory_space<vmem>>, vector<16xf32>,
      %mul3A_42 = arith.constant 16 : i32
      %mul3A_43 = arith.muli %scan3A_35, %mul3A_42 : i32
      %get3A_44 = arith.constant 1 : i32
      %get3A_45 = arith.index_cast %get3A_44 : i32 to index
      %get3A_46 = arith.index_cast %mul3A_43 : i32 to index
      %get3A_47 = tpu.vector_load %arg10[%get3A_45, %get3A_46] {strides = array<i32>} : memref<16x640xf32, #tpu.memory_space<vmem>>, vector<16xf32>,
      %add3A_48 = arith.addf %get3A_41, %get3A_47 : vector<16xf32>
      %mul3A_49 = arith.constant 16 : i32
      %mul3A_50 = arith.muli %scan3A_35, %mul3A_49 : i32
      %get3A_51 = arith.constant 2 : i32
      %get3A_52 = arith.index_cast %get3A_51 : i32 to index
      %get3A_53 = arith.index_cast %mul3A_50 : i32 to index
      %get3A_54 = tpu.vector_load %arg10[%get3A_52, %get3A_53] {strides = array<i32>} : memref<16x640xf32, #tpu.memory_space<vmem>>, vector<16xf32>,
      %add3A_55 = arith.addf %add3A_48, %get3A_54 : vector<16xf32>
      %mul3A_56 = arith.constant 16 : i32
      %mul3A_57 = arith.muli %scan3A_35, %mul3A_56 : i32
      %get3A_58 = arith.constant 3 : i32
      %get3A_59 = arith.index_cast %get3A_58 : i32 to index
      %get3A_60 = arith.index_cast %mul3A_57 : i32 to index
      %get3A_61 = tpu.vector_load %arg10[%get3A_59, %get3A_60] {strides = array<i32>} : memref<16x640xf32, #tpu.memory_space<vmem>>, vector<16xf32>,
      %add3A_62 = arith.addf %add3A_55, %get3A_61 : vector<16xf32>
      %mul3A_63 = arith.constant 16 : i32
      %mul3A_64 = arith.muli %scan3A_35, %mul3A_63 : i32
      %get3A_65 = arith.constant 4 : i32
      %get3A_66 = arith.index_cast %get3A_65 : i32 to index
      %get3A_67 = arith.index_cast %mul3A_64 : i32 to index
      %get3A_68 = tpu.vector_load %arg10[%get3A_66, %get3A_67] {strides = array<i32>} : memref<16x640xf32, #tpu.memory_space<vmem>>, vector<16xf32>,
      %add3A_69 = arith.addf %add3A_62, %get3A_68 : vector<16xf32>
      %mul3A_70 = arith.constant 16 : i32
      %mul3A_71 = arith.muli %scan3A_35, %mul3A_70 : i32
      %get3A_72 = arith.constant 5 : i32
      %get3A_73 = arith.index_cast %get3A_72 : i32 to index
      %get3A_74 = arith.index_cast %mul3A_71 : i32 to index
      %get3A_75 = tpu.vector_load %arg10[%get3A_73, %get3A_74] {strides = array<i32>} : memref<16x640xf32, #tpu.memory_space<vmem>>, vector<16xf32>,
      %add3A_76 = arith.addf %add3A_69, %get3A_75 : vector<16xf32>
      %mul3A_77 = arith.constant 16 : i32
      %mul3A_78 = arith.muli %scan3A_35, %mul3A_77 : i32
      %get3A_79 = arith.constant 6 : i32
      %get3A_80 = arith.index_cast %get3A_79 : i32 to index
      %get3A_81 = arith.index_cast %mul3A_78 : i32 to index
      %get3A_82 = tpu.vector_load %arg10[%get3A_80, %get3A_81] {strides = array<i32>} : memref<16x640xf32, #tpu.memory_space<vmem>>, vector<16xf32>,
      %add3A_83 = arith.addf %add3A_76, %get3A_82 : vector<16xf32>
      %mul3A_84 = arith.constant 16 : i32
      %mul3A_85 = arith.muli %scan3A_35, %mul3A_84 : i32
      %get3A_86 = arith.constant 7 : i32
      %get3A_87 = arith.index_cast %get3A_86 : i32 to index
      %get3A_88 = arith.index_cast %mul3A_85 : i32 to index
      %get3A_89 = tpu.vector_load %arg10[%get3A_87, %get3A_88] {strides = array<i32>} : memref<16x640xf32, #tpu.memory_space<vmem>>, vector<16xf32>,
      %add3A_90 = arith.addf %add3A_83, %get3A_89 : vector<16xf32>
      %mul3A_91 = arith.constant 16 : i32
      %mul3A_92 = arith.muli %scan3A_35, %mul3A_91 : i32
      %get3A_93 = arith.constant 8 : i32
      %get3A_94 = arith.index_cast %get3A_93 : i32 to index
      %get3A_95 = arith.index_cast %mul3A_92 : i32 to index
      %get3A_96 = tpu.vector_load %arg10[%get3A_94, %get3A_95] {strides = array<i32>} : memref<16x640xf32, #tpu.memory_space<vmem>>, vector<16xf32>,
      %add3A_97 = arith.addf %add3A_90, %get3A_96 : vector<16xf32>
      %mul3A_98 = arith.constant 16 : i32
      %mul3A_99 = arith.muli %scan3A_35, %mul3A_98 : i32
      %get3A_100 = arith.constant 9 : i32
      %get3A_101 = arith.index_cast %get3A_100 : i32 to index
      %get3A_102 = arith.index_cast %mul3A_99 : i32 to index
      %get3A_103 = tpu.vector_load %arg10[%get3A_101, %get3A_102] {strides = array<i32>} : memref<16x640xf32, #tpu.memory_space<vmem>>, vector<16xf32>,
      %add3A_104 = arith.addf %add3A_97, %get3A_103 : vector<16xf32>
      %mul3A_105 = arith.constant 16 : i32
      %mul3A_106 = arith.muli %scan3A_35, %mul3A_105 : i32
      %get3A_107 = arith.constant 10 : i32
      %get3A_108 = arith.index_cast %get3A_107 : i32 to index
      %get3A_109 = arith.index_cast %mul3A_106 : i32 to index
      %get3A_110 = tpu.vector_load %arg10[%get3A_108, %get3A_109] {strides = array<i32>} : memref<16x640xf32, #tpu.memory_space<vmem>>, vector<16xf32>,
      %add3A_111 = arith.addf %add3A_104, %get3A_110 : vector<16xf32>
      %mul3A_112 = arith.constant 16 : i32
      %mul3A_113 = arith.muli %scan3A_35, %mul3A_112 : i32
      %get3A_114 = arith.constant 11 : i32
      %get3A_115 = arith.index_cast %get3A_114 : i32 to index
      %get3A_116 = arith.index_cast %mul3A_113 : i32 to index
      %get3A_117 = tpu.vector_load %arg10[%get3A_115, %get3A_116] {strides = array<i32>} : memref<16x640xf32, #tpu.memory_space<vmem>>, vector<16xf32>,
      %add3A_118 = arith.addf %add3A_111, %get3A_117 : vector<16xf32>
      %mul3A_119 = arith.constant 16 : i32
      %mul3A_120 = arith.muli %scan3A_35, %mul3A_119 : i32
      %get3A_121 = arith.constant 12 : i32
      %get3A_122 = arith.index_cast %get3A_121 : i32 to index
      %get3A_123 = arith.index_cast %mul3A_120 : i32 to index
      %get3A_124 = tpu.vector_load %arg10[%get3A_122, %get3A_123] {strides = array<i32>} : memref<16x640xf32, #tpu.memory_space<vmem>>, vector<16xf32>,
      %add3A_125 = arith.addf %add3A_118, %get3A_124 : vector<16xf32>
      %mul3A_126 = arith.constant 16 : i32
      %mul3A_127 = arith.muli %scan3A_35, %mul3A_126 : i32
      %get3A_128 = arith.constant 13 : i32
      %get3A_129 = arith.index_cast %get3A_128 : i32 to index
      %get3A_130 = arith.index_cast %mul3A_127 : i32 to index
      %get3A_131 = tpu.vector_load %arg10[%get3A_129, %get3A_130] {strides = array<i32>} : memref<16x640xf32, #tpu.memory_space<vmem>>, vector<16xf32>,
      %add3A_132 = arith.addf %add3A_125, %get3A_131 : vector<16xf32>
      %mul3A_133 = arith.constant 16 : i32
      %mul3A_134 = arith.muli %scan3A_35, %mul3A_133 : i32
      %get3A_135 = arith.constant 14 : i32
      %get3A_136 = arith.index_cast %get3A_135 : i32 to index
      %get3A_137 = arith.index_cast %mul3A_134 : i32 to index
      %get3A_138 = tpu.vector_load %arg10[%get3A_136, %get3A_137] {strides = array<i32>} : memref<16x640xf32, #tpu.memory_space<vmem>>, vector<16xf32>,
      %add3A_139 = arith.addf %add3A_132, %get3A_138 : vector<16xf32>
      %mul3A_140 = arith.constant 16 : i32
      %mul3A_141 = arith.muli %scan3A_35, %mul3A_140 : i32
      %get3A_142 = arith.constant 15 : i32
      %get3A_143 = arith.index_cast %get3A_142 : i32 to index
      %get3A_144 = arith.index_cast %mul3A_141 : i32 to index
      %get3A_145 = tpu.vector_load %arg10[%get3A_143, %get3A_144] {strides = array<i32>} : memref<16x640xf32, #tpu.memory_space<vmem>>, vector<16xf32>,
      %add3A_146 = arith.addf %add3A_139, %get3A_145 : vector<16xf32>
      %mul3A_147 = arith.constant 16 : i32
      %mul3A_148 = arith.muli %scan3A_35, %mul3A_147 : i32
      %swap3A = arith.index_cast %mul3A_148 : i32 to index
      %swap3A_149 = tpu.vector_load %arg11[%swap3A] {strides = array<i32>} : memref<640xf32, #tpu.memory_space<vmem>>, vector<16xf32>,
      tpu.vector_store %arg11[%swap3A], %add3A_146 {strides = array<i32>} : memref<640xf32, #tpu.memory_space<vmem>>, vector<16xf32>,
      %scan3A_150 = arith.constant 0 : i32
      scf.yield %scan3A_150 : i32
    }
    %scan3A_27 = arith.constant 40 : i32
    "tpu.region"() ({
      %run_scoped3A = tpu.sem_alloc : memref<!tpu.dma_semaphore, #tpu.memory_space<semaphore_mem>>
      %dma_start3A = tpu.memref_slice %arg4[%arg0, %mul3A_20] : memref<2x10240xf32, #tpu.memory_space<hbm>> -> memref<1x640xf32, #tpu.memory_space<hbm>>
      %dma_start3A_35 = tpu.memref_squeeze %dma_start3A : memref<1x640xf32, #tpu.memory_space<hbm>> -> memref<640xf32, #tpu.memory_space<hbm>>
      %dma_start3A_36 = tpu.memref_slice %arg4[%arg0, %mul3A_20] : memref<2x10240xf32, #tpu.memory_space<hbm>> -> memref<1x640xf32, #tpu.memory_space<hbm>>
      %dma_start3A_37 = tpu.memref_squeeze %dma_start3A_36 : memref<1x640xf32, #tpu.memory_space<hbm>> -> memref<640xf32, #tpu.memory_space<hbm>>
      tpu.enqueue_dma source(%arg11 : memref<640xf32, #tpu.memory_space<vmem>>) target(%dma_start3A_37 : memref<640xf32, #tpu.memory_space<hbm>>) target_semaphore(%run_scoped3A : memref<!tpu.dma_semaphore, #tpu.memory_space<semaphore_mem>>)
      %dma_wait3A = tpu.memref_slice %arg4[%arg0, %mul3A_20] : memref<2x10240xf32, #tpu.memory_space<hbm>> -> memref<1x640xf32, #tpu.memory_space<hbm>>
      %dma_wait3A_38 = tpu.memref_squeeze %dma_wait3A : memref<1x640xf32, #tpu.memory_space<hbm>> -> memref<640xf32, #tpu.memory_space<hbm>>
      %dma_wait3A_39 = tpu.memref_slice %arg4[%arg0, %mul3A_20] : memref<2x10240xf32, #tpu.memory_space<hbm>> -> memref<1x640xf32, #tpu.memory_space<hbm>>
      %dma_wait3A_40 = tpu.memref_squeeze %dma_wait3A_39 : memref<1x640xf32, #tpu.memory_space<hbm>> -> memref<640xf32, #tpu.memory_space<hbm>>
      tpu.wait_dma2 semaphore(%run_scoped3A : memref<!tpu.dma_semaphore, #tpu.memory_space<semaphore_mem>>) src(%arg11 : memref<640xf32, #tpu.memory_space<vmem>>) dst(%dma_wait3A_40 : memref<640xf32, #tpu.memory_space<hbm>>)
      tpu.yield
    }) : () -> ()
    "tpu.region"() ({
      %run_scoped3A = tpu.sem_alloc : memref<!tpu.dma_semaphore, #tpu.memory_space<semaphore_mem>>
      %dma_start3A = arith.constant 0 : i32
      %dma_start3A_35 = tpu.memref_slice %arg13[%dma_start3A, %mul3A_20] : memref<16x10240xf32, #tpu.memory_space<vmem_shared>> -> memref<16x640xf32, #tpu.memory_space<vmem_shared>>
      %dma_start3A_36 = arith.constant 0 : i32
      %dma_start3A_37 = tpu.memref_slice %arg13[%dma_start3A_36, %mul3A_20] : memref<16x10240xf32, #tpu.memory_space<vmem_shared>> -> memref<16x640xf32, #tpu.memory_space<vmem_shared>>
      tpu.enqueue_dma source(%dma_start3A_37 : memref<16x640xf32, #tpu.memory_space<vmem_shared>>) target(%arg10 : memref<16x640xf32, #tpu.memory_space<vmem>>) target_semaphore(%run_scoped3A : memref<!tpu.dma_semaphore, #tpu.memory_space<semaphore_mem>>)
      %dma_wait3A = arith.constant 0 : i32
      %dma_wait3A_38 = tpu.memref_slice %arg13[%dma_wait3A, %mul3A_20] : memref<16x10240xf32, #tpu.memory_space<vmem_shared>> -> memref<16x640xf32, #tpu.memory_space<vmem_shared>>
      %dma_wait3A_39 = arith.constant 0 : i32
      %dma_wait3A_40 = tpu.memref_slice %arg13[%dma_wait3A_39, %mul3A_20] : memref<16x10240xf32, #tpu.memory_space<vmem_shared>> -> memref<16x640xf32, #tpu.memory_space<vmem_shared>>
      tpu.wait_dma2 semaphore(%run_scoped3A : memref<!tpu.dma_semaphore, #tpu.memory_space<semaphore_mem>>) src(%dma_wait3A_40 : memref<16x640xf32, #tpu.memory_space<vmem_shared>>) dst(%arg10 : memref<16x640xf32, #tpu.memory_space<vmem>>)
      tpu.yield
    }) : () -> ()
    %scan3A_28 = arith.constant 0 : i32
    %scan3A_29 = arith.constant 0 : i32
    %scan3A_30 = arith.constant 40 : i32
    %scan3A_31 = arith.addi %scan3A_29, %scan3A_30 : i32
    %scan3A_32 = arith.constant 1 : i32
    %scan3A_33 = scf.for %scan3A_35 = %scan3A_29 to %scan3A_31 step %scan3A_32 iter_args(%scan3A_36 = %scan3A_28) -> (i32)  : i32 {
      %mul3A_37 = arith.constant 16 : i32
      %mul3A_38 = arith.muli %scan3A_35, %mul3A_37 : i32
      %get3A = arith.constant 0 : i32
      %get3A_39 = arith.index_cast %get3A : i32 to index
      %get3A_40 = arith.index_cast %mul3A_38 : i32 to index
      %get3A_41 = tpu.vector_load %arg10[%get3A_39, %get3A_40] {strides = array<i32>} : memref<16x640xf32, #tpu.memory_space<vmem>>, vector<16xf32>,
      %mul3A_42 = arith.constant 16 : i32
      %mul3A_43 = arith.muli %scan3A_35, %mul3A_42 : i32
      %get3A_44 = arith.constant 1 : i32
      %get3A_45 = arith.index_cast %get3A_44 : i32 to index
      %get3A_46 = arith.index_cast %mul3A_43 : i32 to index
      %get3A_47 = tpu.vector_load %arg10[%get3A_45, %get3A_46] {strides = array<i32>} : memref<16x640xf32, #tpu.memory_space<vmem>>, vector<16xf32>,
      %add3A_48 = arith.addf %get3A_41, %get3A_47 : vector<16xf32>
      %mul3A_49 = arith.constant 16 : i32
      %mul3A_50 = arith.muli %scan3A_35, %mul3A_49 : i32
      %get3A_51 = arith.constant 2 : i32
      %get3A_52 = arith.index_cast %get3A_51 : i32 to index
      %get3A_53 = arith.index_cast %mul3A_50 : i32 to index
      %get3A_54 = tpu.vector_load %arg10[%get3A_52, %get3A_53] {strides = array<i32>} : memref<16x640xf32, #tpu.memory_space<vmem>>, vector<16xf32>,
      %add3A_55 = arith.addf %add3A_48, %get3A_54 : vector<16xf32>
      %mul3A_56 = arith.constant 16 : i32
      %mul3A_57 = arith.muli %scan3A_35, %mul3A_56 : i32
      %get3A_58 = arith.constant 3 : i32
      %get3A_59 = arith.index_cast %get3A_58 : i32 to index
      %get3A_60 = arith.index_cast %mul3A_57 : i32 to index
      %get3A_61 = tpu.vector_load %arg10[%get3A_59, %get3A_60] {strides = array<i32>} : memref<16x640xf32, #tpu.memory_space<vmem>>, vector<16xf32>,
      %add3A_62 = arith.addf %add3A_55, %get3A_61 : vector<16xf32>
      %mul3A_63 = arith.constant 16 : i32
      %mul3A_64 = arith.muli %scan3A_35, %mul3A_63 : i32
      %get3A_65 = arith.constant 4 : i32
      %get3A_66 = arith.index_cast %get3A_65 : i32 to index
      %get3A_67 = arith.index_cast %mul3A_64 : i32 to index
      %get3A_68 = tpu.vector_load %arg10[%get3A_66, %get3A_67] {strides = array<i32>} : memref<16x640xf32, #tpu.memory_space<vmem>>, vector<16xf32>,
      %add3A_69 = arith.addf %add3A_62, %get3A_68 : vector<16xf32>
      %mul3A_70 = arith.constant 16 : i32
      %mul3A_71 = arith.muli %scan3A_35, %mul3A_70 : i32
      %get3A_72 = arith.constant 5 : i32
      %get3A_73 = arith.index_cast %get3A_72 : i32 to index
      %get3A_74 = arith.index_cast %mul3A_71 : i32 to index
      %get3A_75 = tpu.vector_load %arg10[%get3A_73, %get3A_74] {strides = array<i32>} : memref<16x640xf32, #tpu.memory_space<vmem>>, vector<16xf32>,
      %add3A_76 = arith.addf %add3A_69, %get3A_75 : vector<16xf32>
      %mul3A_77 = arith.constant 16 : i32
      %mul3A_78 = arith.muli %scan3A_35, %mul3A_77 : i32
      %get3A_79 = arith.constant 6 : i32
      %get3A_80 = arith.index_cast %get3A_79 : i32 to index
      %get3A_81 = arith.index_cast %mul3A_78 : i32 to index
      %get3A_82 = tpu.vector_load %arg10[%get3A_80, %get3A_81] {strides = array<i32>} : memref<16x640xf32, #tpu.memory_space<vmem>>, vector<16xf32>,
      %add3A_83 = arith.addf %add3A_76, %get3A_82 : vector<16xf32>
      %mul3A_84 = arith.constant 16 : i32
      %mul3A_85 = arith.muli %scan3A_35, %mul3A_84 : i32
      %get3A_86 = arith.constant 7 : i32
      %get3A_87 = arith.index_cast %get3A_86 : i32 to index
      %get3A_88 = arith.index_cast %mul3A_85 : i32 to index
      %get3A_89 = tpu.vector_load %arg10[%get3A_87, %get3A_88] {strides = array<i32>} : memref<16x640xf32, #tpu.memory_space<vmem>>, vector<16xf32>,
      %add3A_90 = arith.addf %add3A_83, %get3A_89 : vector<16xf32>
      %mul3A_91 = arith.constant 16 : i32
      %mul3A_92 = arith.muli %scan3A_35, %mul3A_91 : i32
      %get3A_93 = arith.constant 8 : i32
      %get3A_94 = arith.index_cast %get3A_93 : i32 to index
      %get3A_95 = arith.index_cast %mul3A_92 : i32 to index
      %get3A_96 = tpu.vector_load %arg10[%get3A_94, %get3A_95] {strides = array<i32>} : memref<16x640xf32, #tpu.memory_space<vmem>>, vector<16xf32>,
      %add3A_97 = arith.addf %add3A_90, %get3A_96 : vector<16xf32>
      %mul3A_98 = arith.constant 16 : i32
      %mul3A_99 = arith.muli %scan3A_35, %mul3A_98 : i32
      %get3A_100 = arith.constant 9 : i32
      %get3A_101 = arith.index_cast %get3A_100 : i32 to index
      %get3A_102 = arith.index_cast %mul3A_99 : i32 to index
      %get3A_103 = tpu.vector_load %arg10[%get3A_101, %get3A_102] {strides = array<i32>} : memref<16x640xf32, #tpu.memory_space<vmem>>, vector<16xf32>,
      %add3A_104 = arith.addf %add3A_97, %get3A_103 : vector<16xf32>
      %mul3A_105 = arith.constant 16 : i32
      %mul3A_106 = arith.muli %scan3A_35, %mul3A_105 : i32
      %get3A_107 = arith.constant 10 : i32
      %get3A_108 = arith.index_cast %get3A_107 : i32 to index
      %get3A_109 = arith.index_cast %mul3A_106 : i32 to index
      %get3A_110 = tpu.vector_load %arg10[%get3A_108, %get3A_109] {strides = array<i32>} : memref<16x640xf32, #tpu.memory_space<vmem>>, vector<16xf32>,
      %add3A_111 = arith.addf %add3A_104, %get3A_110 : vector<16xf32>
      %mul3A_112 = arith.constant 16 : i32
      %mul3A_113 = arith.muli %scan3A_35, %mul3A_112 : i32
      %get3A_114 = arith.constant 11 : i32
      %get3A_115 = arith.index_cast %get3A_114 : i32 to index
      %get3A_116 = arith.index_cast %mul3A_113 : i32 to index
      %get3A_117 = tpu.vector_load %arg10[%get3A_115, %get3A_116] {strides = array<i32>} : memref<16x640xf32, #tpu.memory_space<vmem>>, vector<16xf32>,
      %add3A_118 = arith.addf %add3A_111, %get3A_117 : vector<16xf32>
      %mul3A_119 = arith.constant 16 : i32
      %mul3A_120 = arith.muli %scan3A_35, %mul3A_119 : i32
      %get3A_121 = arith.constant 12 : i32
      %get3A_122 = arith.index_cast %get3A_121 : i32 to index
      %get3A_123 = arith.index_cast %mul3A_120 : i32 to index
      %get3A_124 = tpu.vector_load %arg10[%get3A_122, %get3A_123] {strides = array<i32>} : memref<16x640xf32, #tpu.memory_space<vmem>>, vector<16xf32>,
      %add3A_125 = arith.addf %add3A_118, %get3A_124 : vector<16xf32>
      %mul3A_126 = arith.constant 16 : i32
      %mul3A_127 = arith.muli %scan3A_35, %mul3A_126 : i32
      %get3A_128 = arith.constant 13 : i32
      %get3A_129 = arith.index_cast %get3A_128 : i32 to index
      %get3A_130 = arith.index_cast %mul3A_127 : i32 to index
      %get3A_131 = tpu.vector_load %arg10[%get3A_129, %get3A_130] {strides = array<i32>} : memref<16x640xf32, #tpu.memory_space<vmem>>, vector<16xf32>,
      %add3A_132 = arith.addf %add3A_125, %get3A_131 : vector<16xf32>
      %mul3A_133 = arith.constant 16 : i32
      %mul3A_134 = arith.muli %scan3A_35, %mul3A_133 : i32
      %get3A_135 = arith.constant 14 : i32
      %get3A_136 = arith.index_cast %get3A_135 : i32 to index
      %get3A_137 = arith.index_cast %mul3A_134 : i32 to index
      %get3A_138 = tpu.vector_load %arg10[%get3A_136, %get3A_137] {strides = array<i32>} : memref<16x640xf32, #tpu.memory_space<vmem>>, vector<16xf32>,
      %add3A_139 = arith.addf %add3A_132, %get3A_138 : vector<16xf32>
      %mul3A_140 = arith.constant 16 : i32
      %mul3A_141 = arith.muli %scan3A_35, %mul3A_140 : i32
      %get3A_142 = arith.constant 15 : i32
      %get3A_143 = arith.index_cast %get3A_142 : i32 to index
      %get3A_144 = arith.index_cast %mul3A_141 : i32 to index
      %get3A_145 = tpu.vector_load %arg10[%get3A_143, %get3A_144] {strides = array<i32>} : memref<16x640xf32, #tpu.memory_space<vmem>>, vector<16xf32>,
      %add3A_146 = arith.addf %add3A_139, %get3A_145 : vector<16xf32>
      %mul3A_147 = arith.constant 16 : i32
      %mul3A_148 = arith.muli %scan3A_35, %mul3A_147 : i32
      %swap3A = arith.index_cast %mul3A_148 : i32 to index
      %swap3A_149 = tpu.vector_load %arg11[%swap3A] {strides = array<i32>} : memref<640xf32, #tpu.memory_space<vmem>>, vector<16xf32>,
      tpu.vector_store %arg11[%swap3A], %add3A_146 {strides = array<i32>} : memref<640xf32, #tpu.memory_space<vmem>>, vector<16xf32>,
      %scan3A_150 = arith.constant 0 : i32
      scf.yield %scan3A_150 : i32
    }
    %scan3A_34 = arith.constant 40 : i32
    "tpu.region"() ({
      %run_scoped3A = tpu.sem_alloc : memref<!tpu.dma_semaphore, #tpu.memory_space<semaphore_mem>>
      %dma_start3A = tpu.memref_slice %arg5[%arg0, %mul3A_20] : memref<2x10240xf32, #tpu.memory_space<hbm>> -> memref<1x640xf32, #tpu.memory_space<hbm>>
      %dma_start3A_35 = tpu.memref_squeeze %dma_start3A : memref<1x640xf32, #tpu.memory_space<hbm>> -> memref<640xf32, #tpu.memory_space<hbm>>
      %dma_start3A_36 = tpu.memref_slice %arg5[%arg0, %mul3A_20] : memref<2x10240xf32, #tpu.memory_space<hbm>> -> memref<1x640xf32, #tpu.memory_space<hbm>>
      %dma_start3A_37 = tpu.memref_squeeze %dma_start3A_36 : memref<1x640xf32, #tpu.memory_space<hbm>> -> memref<640xf32, #tpu.memory_space<hbm>>
      tpu.enqueue_dma source(%arg11 : memref<640xf32, #tpu.memory_space<vmem>>) target(%dma_start3A_37 : memref<640xf32, #tpu.memory_space<hbm>>) target_semaphore(%run_scoped3A : memref<!tpu.dma_semaphore, #tpu.memory_space<semaphore_mem>>)
      %dma_wait3A = tpu.memref_slice %arg5[%arg0, %mul3A_20] : memref<2x10240xf32, #tpu.memory_space<hbm>> -> memref<1x640xf32, #tpu.memory_space<hbm>>
      %dma_wait3A_38 = tpu.memref_squeeze %dma_wait3A : memref<1x640xf32, #tpu.memory_space<hbm>> -> memref<640xf32, #tpu.memory_space<hbm>>
      %dma_wait3A_39 = tpu.memref_slice %arg5[%arg0, %mul3A_20] : memref<2x10240xf32, #tpu.memory_space<hbm>> -> memref<1x640xf32, #tpu.memory_space<hbm>>
      %dma_wait3A_40 = tpu.memref_squeeze %dma_wait3A_39 : memref<1x640xf32, #tpu.memory_space<hbm>> -> memref<640xf32, #tpu.memory_space<hbm>>
      tpu.wait_dma2 semaphore(%run_scoped3A : memref<!tpu.dma_semaphore, #tpu.memory_space<semaphore_mem>>) src(%arg11 : memref<640xf32, #tpu.memory_space<vmem>>) dst(%dma_wait3A_40 : memref<640xf32, #tpu.memory_space<hbm>>)
      tpu.yield
    }) : () -> ()
    return
  }
}

module attributes {stable_mosaic.version = 14 : i64} {
  func.func @_mm_body(%arg0: i32, %arg1: memref<1000x128xf32, #tpu.memory_space<vmem>>, %arg2: memref<1000x2xf32, #tpu.memory_space<vmem>>, %arg3: memref<128x128xf32, #tpu.memory_space<vmem>>, %arg4: memref<1000x128xf32, #tpu.memory_space<vmem>>) attributes {dimension_semantics = [#tpu.dimension_semantics<arbitrary>], iteration_bounds = array<i64: 10>, scalar_prefetch = 0 : i64, scratch_operands = 0 : i64, tpu.core_type = #tpu.core_type<tc>, window_params = [{transform_indices = @transform_0, window_bounds = array<i64: 1000, 128>}, {transform_indices = @transform_1, window_bounds = array<i64: 1000, 2>}, {pipeline_mode = #tpu.pipeline_mode<synchronous>, transform_indices = @transform_2, window_bounds = array<i64: 128, 128>}, {transform_indices = @transform_3, window_bounds = array<i64: 1000, 128>}]} {
    %get3A = arith.constant 0 : index
    %get3A_0 = arith.constant 0 : index
    %get3A_1 = vector.load %arg2[%get3A, %get3A_0] : memref<1000x2xf32, #tpu.memory_space<vmem>>, vector<1000x2xf32>
    %slice3A = vector.extract_strided_slice %get3A_1 {offsets = [0, 0], sizes = [1000, 1], strides = [1, 1]} : vector<1000x2xf32> to vector<1000x1xf32>
    %squeeze3A = vector.shape_cast %slice3A : vector<1000x1xf32> to vector<1000xf32>
    %slice3A_2 = vector.extract_strided_slice %get3A_1 {offsets = [0, 1], sizes = [1000, 1], strides = [1, 1]} : vector<1000x2xf32> to vector<1000x1xf32>
    %squeeze3A_3 = vector.shape_cast %slice3A_2 : vector<1000x1xf32> to vector<1000xf32>
    %add3A = arith.addf %squeeze3A, %squeeze3A_3 : vector<1000xf32>
    %max3A = arith.constant 1.000000e+00 : f32
    %max3A_4 = vector.broadcast %max3A : f32 to vector<1000xf32>
    %max3A_5 = arith.maximumf %add3A, %max3A_4 : vector<1000xf32>
    %rsqrt3A = math.rsqrt %max3A_5 : vector<1000xf32>
    %get3A_6 = arith.constant 0 : index
    %get3A_7 = arith.constant 0 : index
    %get3A_8 = vector.load %arg1[%get3A_6, %get3A_7] : memref<1000x128xf32, #tpu.memory_space<vmem>>, vector<1000x128xf32>
    %broadcast_in_dim3A = vector.shape_cast %rsqrt3A : vector<1000xf32> to vector<1000x1xf32>
    %mul3A = vector.broadcast %broadcast_in_dim3A : vector<1000x1xf32> to vector<1000x128xf32>
    %mul3A_9 = arith.mulf %get3A_8, %mul3A : vector<1000x128xf32>
    %get3A_10 = arith.constant 0 : index
    %get3A_11 = arith.constant 0 : index
    %get3A_12 = vector.load %arg3[%get3A_10, %get3A_11] : memref<128x128xf32, #tpu.memory_space<vmem>>, vector<128x128xf32>
    %dot_general3A = arith.constant dense<0.000000e+00> : vector<1000x128xf32>
    %dot_general3A_13 = tpu.matmul %mul3A_9, %get3A_12, %dot_general3A {dimension_numbers = #tpu.dot_dimension_numbers<[1], [0], [0], [1], [0, 0, 1, 1], [], []>, transpose_lhs_hint = false} : vector<1000x128xf32>, vector<128x128xf32>, vector<1000x128xf32> -> vector<1000x128xf32>
    %swap3A = arith.constant 0 : index
    %swap3A_14 = arith.constant 0 : index
    %swap3A_15 = vector.load %arg4[%swap3A, %swap3A_14] : memref<1000x128xf32, #tpu.memory_space<vmem>>, vector<1000x128xf32>
    tpu.vector_store %arg4[%swap3A, %swap3A_14], %dot_general3A_13 {strides = array<i32>} : memref<1000x128xf32, #tpu.memory_space<vmem>>, vector<1000x128xf32>,
    return
  }
  func.func @transform_0(%arg0: i32) -> (i32, i32) {
    %c0_i32 = arith.constant 0 : i32
    %c0_i32_0 = arith.constant 0 : i32
    return %arg0, %c0_i32 : i32, i32
  }
  func.func @transform_1(%arg0: i32) -> (i32, i32) {
    %c0_i32 = arith.constant 0 : i32
    %c0_i32_0 = arith.constant 0 : i32
    return %arg0, %c0_i32 : i32, i32
  }
  func.func @transform_2(%arg0: i32) -> (i32, i32) {
    %c0_i32 = arith.constant 0 : i32
    %c0_i32_0 = arith.constant 0 : i32
    %c0_i32_1 = arith.constant 0 : i32
    return %c0_i32, %c0_i32_0 : i32, i32
  }
  func.func @transform_3(%arg0: i32) -> (i32, i32) {
    %c0_i32 = arith.constant 0 : i32
    %c0_i32_0 = arith.constant 0 : i32
    return %arg0, %c0_i32 : i32, i32
  }
}

module attributes {stable_mosaic.version = 14 : i64} {
  func.func @_fin_body(%arg0: i32, %arg1: memref<2x1000x128xf32, #tpu.memory_space<vmem>>, %arg2: memref<1000x2xf32, #tpu.memory_space<vmem>>, %arg3: memref<1x128xf32, #tpu.memory_space<vmem>>, %arg4: memref<1000x128xf32, #tpu.memory_space<vmem>>) attributes {dimension_semantics = [#tpu.dimension_semantics<arbitrary>], iteration_bounds = array<i64: 10>, scalar_prefetch = 0 : i64, scratch_operands = 0 : i64, tpu.core_type = #tpu.core_type<tc>, window_params = [{transform_indices = @transform_0, window_bounds = array<i64: 2, 1000, 128>}, {transform_indices = @transform_1, window_bounds = array<i64: 1000, 2>}, {pipeline_mode = #tpu.pipeline_mode<synchronous>, transform_indices = @transform_2, window_bounds = array<i64: 1, 128>}, {transform_indices = @transform_3, window_bounds = array<i64: 1000, 128>}]} {
    %get3A = arith.constant 0 : index
    %get3A_0 = arith.constant 0 : index
    %get3A_1 = arith.constant 0 : index
    %get3A_2 = vector.load %arg1[%get3A, %get3A_0, %get3A_1] : memref<2x1000x128xf32, #tpu.memory_space<vmem>>, vector<1x1000x128xf32>
    %get3A_3 = vector.shape_cast %get3A_2 : vector<1x1000x128xf32> to vector<1000x128xf32>
    %get3A_4 = arith.constant 1 : index
    %get3A_5 = arith.constant 0 : index
    %get3A_6 = arith.constant 0 : index
    %get3A_7 = vector.load %arg1[%get3A_4, %get3A_5, %get3A_6] : memref<2x1000x128xf32, #tpu.memory_space<vmem>>, vector<1x1000x128xf32>
    %get3A_8 = vector.shape_cast %get3A_7 : vector<1x1000x128xf32> to vector<1000x128xf32>
    %add3A = arith.addf %get3A_3, %get3A_8 : vector<1000x128xf32>
    %get3A_9 = arith.constant 0 : index
    %get3A_10 = arith.constant 0 : index
    %get3A_11 = vector.load %arg2[%get3A_9, %get3A_10] : memref<1000x2xf32, #tpu.memory_space<vmem>>, vector<1000x2xf32>
    %slice3A = vector.extract_strided_slice %get3A_11 {offsets = [0, 0], sizes = [1000, 1], strides = [1, 1]} : vector<1000x2xf32> to vector<1000x1xf32>
    %squeeze3A = vector.shape_cast %slice3A : vector<1000x1xf32> to vector<1000xf32>
    %slice3A_12 = vector.extract_strided_slice %get3A_11 {offsets = [0, 1], sizes = [1000, 1], strides = [1, 1]} : vector<1000x2xf32> to vector<1000x1xf32>
    %squeeze3A_13 = vector.shape_cast %slice3A_12 : vector<1000x1xf32> to vector<1000xf32>
    %add3A_14 = arith.addf %squeeze3A, %squeeze3A_13 : vector<1000xf32>
    %max3A = arith.constant 1.000000e+00 : f32
    %max3A_15 = vector.broadcast %max3A : f32 to vector<1000xf32>
    %max3A_16 = arith.maximumf %add3A_14, %max3A_15 : vector<1000xf32>
    %rsqrt3A = math.rsqrt %max3A_16 : vector<1000xf32>
    %broadcast_in_dim3A = vector.shape_cast %rsqrt3A : vector<1000xf32> to vector<1000x1xf32>
    %mul3A = vector.broadcast %broadcast_in_dim3A : vector<1000x1xf32> to vector<1000x128xf32>
    %mul3A_17 = arith.mulf %add3A, %mul3A : vector<1000x128xf32>
    %get3A_18 = arith.constant 0 : index
    %get3A_19 = arith.constant 0 : index
    %get3A_20 = vector.load %arg3[%get3A_18, %get3A_19] : memref<1x128xf32, #tpu.memory_space<vmem>>, vector<1x128xf32>
    %add3A_21 = vector.broadcast %get3A_20 : vector<1x128xf32> to vector<1000x128xf32>
    %add3A_22 = arith.addf %mul3A_17, %add3A_21 : vector<1000x128xf32>
    %max3A_23 = arith.constant 0.000000e+00 : f32
    %max3A_24 = vector.broadcast %max3A_23 : f32 to vector<1000x128xf32>
    %max3A_25 = arith.maximumf %add3A_22, %max3A_24 : vector<1000x128xf32>
    %swap3A = arith.constant 0 : index
    %swap3A_26 = arith.constant 0 : index
    %swap3A_27 = vector.load %arg4[%swap3A, %swap3A_26] : memref<1000x128xf32, #tpu.memory_space<vmem>>, vector<1000x128xf32>
    tpu.vector_store %arg4[%swap3A, %swap3A_26], %max3A_25 {strides = array<i32>} : memref<1000x128xf32, #tpu.memory_space<vmem>>, vector<1000x128xf32>,
    return
  }
  func.func @transform_0(%arg0: i32) -> (i32, i32, i32) {
    %c0_i32 = arith.constant 0 : i32
    %c0_i32_0 = arith.constant 0 : i32
    %c0_i32_1 = arith.constant 0 : i32
    return %c0_i32, %arg0, %c0_i32_0 : i32, i32, i32
  }
  func.func @transform_1(%arg0: i32) -> (i32, i32) {
    %c0_i32 = arith.constant 0 : i32
    %c0_i32_0 = arith.constant 0 : i32
    return %arg0, %c0_i32 : i32, i32
  }
  func.func @transform_2(%arg0: i32) -> (i32, i32) {
    %c0_i32 = arith.constant 0 : i32
    %c0_i32_0 = arith.constant 0 : i32
    %c0_i32_1 = arith.constant 0 : i32
    return %c0_i32, %c0_i32_0 : i32, i32
  }
  func.func @transform_3(%arg0: i32) -> (i32, i32) {
    %c0_i32 = arith.constant 0 : i32
    %c0_i32_0 = arith.constant 0 : i32
    return %arg0, %c0_i32 : i32, i32
  }
}

</mosaic_0001>

<sc_bundles>
// kernel: kernel.6.cloned.1.call-start
scs
__scs_entry_jumppad:
0x0: {  	(pc) =	sbr.rel $0x88, $3  }
0x1: {  	(tag) =	ssettag $0x0;
	lr =	simm.s32 $0x1  }
0x2: {  	[smem:$0x3F9D] =	sst lr;
	_ =	strace $0xD0000000  }
0x3: {  	_ = 	snop  }
0x4: {  	_ = 	snop  }
0x5: {  	_ = 	snop  }
0x6: {  	_ = 	snop  }
0x7: {  	_ = 	snop  }
__scs_overlays_trampoline_lowered:
0x8: {  	[smem:$0x3FAC] =	sst s0  }
0x9: {  	[smem:$0x3FAD] =	sst s1  }
0xa: {  	[smem:$0x3FAE] =	sst s2  }
0xb: {  	[smem:$0x3FAF] =	sst s3  }
0xc: {  	[smem:$0x3FB0] =	sst s4  }
0xd: {  	[smem:$0x3FB1] =	sst s5  }
0xe: {  	[smem:$0x3FB2] =	sst s6  }
0xf: {  	[smem:$0x3FB3] =	sst s7  }
0x10: {  	[smem:$0x3FB4] =	sst s8  }
0x11: {  	[smem:$0x3FB5] =	sst s9;
	s0 =	simm.s32 @!p0 $0x0  }
0x12: {  	s1 =	sld [smem:$0x3F9B];
	s0 =	simm.s32 @p0 $0x1  }
0x13: {  	[smem:$0x3FB6] =	sst s0;
	s0 =	simm.s32 @!p1 $0x0  }
0x14: {  	s2 =	sld [smem:$0x3F9A];
	s0 =	simm.s32 @p1 $0x1  }
0x15: {  	[smem:$0x3FB7] =	sst s0;
	s0 =	simm.s32 @!p2 $0x0  }
0x16: {  	s3 =	sld [smem:$0x3FDB];
	s0 =	simm.s32 @p2 $0x1  }
0x17: {  	s4 =	simm.s32 $0x1BF5;
	[smem:$0x3FB9] =	sst s0  }
0x18: {  	s0 =	sld [smem:$0x3F9C];
	_ =	swait.ge [sflag:s4], $0x0  }
0x19: {  	s7 =	sld [smem:$0x3F9D]  }
0x1a: {  	s8 =	sadd.s32 $0xFFFFE003, lr  }
0x1b: {  	s9 =	sadd.s32 $0xFFFFFEF7, lr;
	s5 =	simm.s32 $0xFFFFFFFF;
	p2 =	slt.u32 s8, $0xFFFFF086  }
0x1c: {  	p1 =	slt.u32 s9, $0xF7A;
	s5 =	simm.s32 @!p2 $0x0  }
0x1d: {  	s5 =	simm.s32 @p1 $0x1;
	p0 =	seq.s32 s7, s2  }
0x1e: {  	s7 =	smul.u32 @!p0 $0xF7A, s2;
	p2 =	seq.s32 @!p0 s5, $0x0  }
0x1f: {  	s9 =	smul.u32 $0xF7A, s1;
	s8 =	simm.s32 @!p0 $0x1BF5;
	p2 =	por !p2, p0  }
0x20: {  	[sflag:s8] =	ssyncset.s32 @!p0 $0xFFFFF086;
	s6 =	sadd.s32 @!p0 s3, s7;
	s7 =	simm.s32 @!p0 $0x108  }
0x21: {  	s3 =	sadd.s32 s3, s9;
	s6 =	sadd.s32 @!p0 $0x88, s6;
	s7 =	simm.s32 @p2 $0x1082  }
0x22: {  	[simem:s7], [sflag:s8] =	dma.local @!p0 [hbm:s6], $0xF7A  }
0x23: {  	s9 =	sor.u32 $0xD0000000, s2;
	s6 =	simm.s32 $0x108;
	_ =	swait.ge @!p0 [sflag:s8], $0x0  }
0x24: {  	s3 =	sadd.s32 $0x88, s3;
	s6 =	simm.s32 @!p1 $0x1082;
	[sflag:s4] =	ssyncset.s32 $0xFFFFF086  }
0x25: {  	[simem:s6], [sflag:s4] =	dma.local [hbm:s3], $0xF7A  }
0x26: {  	[smem:$0x3F9D] =	sst s1;
	(tag) =	ssettag s2;
	_ =	strace s9  }
0x27: {  	s1 =	sld [smem:$0x3FAD]  }
0x28: {  	s2 =	sld [smem:$0x3FAE]  }
0x29: {  	s4 =	sld [smem:$0x3FB0]  }
0x2a: {  	p0 =	seq.s32 s5, $0x0;
	s5 =	sld [smem:$0x3FB1]  }
0x2b: {  	s6 =	sld [smem:$0x3FB2]  }
0x2c: {  	s7 =	sld [smem:$0x3FB3]  }
0x2d: {  	s3 =	simm.s32 $0x108;
	s8 =	sld [smem:$0x3FB4]  }
0x2e: {  	s3 =	simm.s32 @!p0 $0x1082;
	s9 =	sld [smem:$0x3FB5]  }
0x2f: {  	lr =	sadd.s32 s0, s3;
	s0 =	sld [smem:$0x3FAC]  }
0x30: {  	s3 =	sld [smem:$0x3FAF]  }
0x31: {  	[smem:$0x3FB8] =	sst s10  }
0x32: {  	s10 =	sld [smem:$0x3FB6];
	_ =	sdelay $0x3  }
0x33: {  	p0 =	seq.s32 s10, $0x1;
	s10 =	sld [smem:$0x3FB8];
	_ =	sdelay $0x3  }
0x34: {  	[smem:$0x3FB8] =	sst s10  }
0x35: {  	s10 =	sld [smem:$0x3FB7];
	_ =	sdelay $0x3  }
0x36: {  	p1 =	seq.s32 s10, $0x1;
	s10 =	sld [smem:$0x3FB8];
	_ =	sdelay $0x3  }
0x37: {  	[smem:$0x3FB8] =	sst s10  }
0x38: {  	s10 =	sld [smem:$0x3FB9]  }
0x39: {  	_ = 	snop;
	(pc) =	sbr.ind lr, $3  }
0x3a: {  	_ = 	snop  }
0x3b: {  	_ = 	snop  }
0x3c: {  	p2 =	seq.s32 s10, $0x1;
	s10 =	sld [smem:$0x3FB8]  }
0x3d: {  	_ =	shalt  }
0x3e: {  	_ =	shalt  }
0x3f: {  	_ =	shalt  }
0x40: {  	_ =	shalt  }
0x41: {  	_ =	shalt  }
0x42: {  	_ =	shalt  }
0x43: {  	_ =	shalt  }
0x44: {  	_ =	shalt  }
0x45: {  	_ =	shalt  }
0x46: {  	_ =	shalt  }
0x47: {  	_ =	shalt  }
0x48: {  	_ =	shalt  }
0x49: {  	_ =	shalt  }
0x4a: {  	_ =	shalt  }
0x4b: {  	_ =	shalt  }
0x4c: {  	_ =	shalt  }
0x4d: {  	_ =	shalt  }
0x4e: {  	_ =	shalt  }
0x4f: {  	_ =	shalt  }
0x50: {  	_ =	shalt  }
0x51: {  	_ =	shalt  }
0x52: {  	_ =	shalt  }
0x53: {  	_ =	shalt  }
0x54: {  	_ =	shalt  }
0x55: {  	_ =	shalt  }
0x56: {  	_ =	shalt  }
0x57: {  	_ =	shalt  }
0x58: {  	_ =	shalt  }
0x59: {  	_ =	shalt  }
0x5a: {  	_ =	shalt  }
0x5b: {  	_ =	shalt  }
0x5c: {  	_ =	shalt  }
0x5d: {  	_ =	shalt  }
0x5e: {  	_ =	shalt  }
0x5f: {  	_ =	shalt  }
0x60: {  	_ =	shalt  }
0x61: {  	_ =	shalt  }
0x62: {  	_ =	shalt  }
0x63: {  	_ =	shalt  }
0x64: {  	_ =	shalt  }
0x65: {  	_ =	shalt  }
0x66: {  	_ =	shalt  }
0x67: {  	_ =	shalt  }
0x68: {  	_ =	shalt  }
0x69: {  	_ =	shalt  }
0x6a: {  	_ =	shalt  }
0x6b: {  	_ =	shalt  }
0x6c: {  	_ =	shalt  }
0x6d: {  	_ =	shalt  }
0x6e: {  	_ =	shalt  }
0x6f: {  	_ =	shalt  }
0x70: {  	_ =	shalt  }
0x71: {  	_ =	shalt  }
0x72: {  	_ =	shalt  }
0x73: {  	_ =	shalt  }
0x74: {  	_ =	shalt  }
0x75: {  	_ =	shalt  }
0x76: {  	_ =	shalt  }
0x77: {  	_ =	shalt  }
0x78: {  	_ =	shalt  }
0x79: {  	_ =	shalt  }
0x7a: {  	_ =	shalt  }
0x7b: {  	_ =	shalt  }
0x7c: {  	_ =	shalt  }
0x7d: {  	_ =	shalt  }
0x7e: {  	_ =	shalt  }
0x7f: {  	_ =	shalt  }
0x80: {  	_ =	shalt  }
0x81: {  	_ =	shalt  }
0x82: {  	_ =	shalt  }
0x83: {  	_ =	shalt  }
0x84: {  	_ =	shalt  }
0x85: {  	_ =	shalt  }
0x86: {  	_ =	shalt  }
0x87: {  	_ =	shalt  }
.Lfunc_end0:
.L_simem_size_0:
called_computation_lowered:
.L_overlay_start_0:
0x88: {  	s2 =	sld [smem:$0x3FD9]  }
0x89: {  	s3 =	sld [smem:$0x3FFE];
	_ =	sdelay $0x1  }
0x8a: {  	s1 =	srdreg.scid  }
0x8b: {  	s0 =	sand.u32 $0x1, s1  }
0x8c: {  	s17 =	sshll.u32 s0, $0xA;
	s2 =	sadd.s32 s3, s2  }
0x8d: {  	s2 =	sadd.s32 s2, s17  }
0x8e: {  	[smem:$0x3FC4] =	sst s2  }
0x8f: {  	_ = 	snop  }
0x90: {  	s2 =	sld [smem:$0x3FD0];
	(tm) =	ssettm $0x1  }
0x91: {  	s18 =	sld [smem:$0x3FFB];
	_ =	sdelay $0x3  }
0x92: {  	_ =	strace s18  }
0x93: {  	s3 =	sld [smem:$0x3FFC];
	_ =	sdelay $0x3  }
0x94: {  	_ =	strace s3  }
0x95: {  	s3 =	sld [smem:$0x3FFD];
	_ =	sdelay $0x3  }
0x96: {  	_ =	strace s3  }
0x97: {  	_ =	strace $0x8FFFFFFF  }
0x98: {  	s19 =	sld [smem:$0x3FDB];
	_ =	sdelay $0x1  }
0x99: {  	s4 =	simm.s32 $_scs_section_size  }
0x9a: {  	s5 =	simm.s32 $_size__tile_overlayer_lowered;
	s6 =	simm.s32 $_tile_overlayer_lowered  }
0x9b: {  	s22 =	simm.s32 $0x1BFF;
	s21 =	sshll.u32 s6, $0x1;
	s3 =	sadd.s32 s4, s19  }
0x9c: {  	s7 =	simm.s32 $0x0;
	s20 =	sshll.u32 s5, $0x1;
	s5 =	sadd.s32 s21, s3  }
0x9d: {  	[timem:s7], [sflag:s22] =	dma.local [hbm:s5], s20  }
0x9e: {  	_ =	swait.ge [sflag:s22], s20  }
0x9f: {  	s4 =	ssub.s32 $0x0, s20;
	[sflag:s22] =	ssyncset.done $0x0  }
0xa0: {  	[sflag:s22] =	ssyncadd.s32 s4;
	_ =	sdelay $0x1  }
0xa1: {  	s23 =	simm.s32 $0x1B8B  }
0xa2: {  	_ =	swait.ge [sflag:s23], $0x1  }
0xa3: {  	[sflag:s23] =	ssyncset.done $0x0  }
0xa4: {  	s25 =	simm.s32 $0x1B8E;
	s24 =	sld [smem:$0x3FFE];
	[sflag:s23] =	ssyncadd.s32 $0xFFFFFFFF  }
0xa5: {  	s26 =	simm.s32 $execute0_lowered;
	[smem:$0x3FD2] =	sst s25  }
0xa6: {  	s5 =	sshll.u32 s26, $0x1;
	_ =	strace $0x80000046;
	[dreg:$0x1] =	wrdreg $0xFFFFFFFF  }
0xa7: {  	s28 =	simm.s32 $_size_execute0_lowered;
	s3 =	sadd.s32 s3, s5;
	[dreg:$0x0] =	wrdreg $0x0  }
0xa8: {  	s5 =	sshll.u32 s28, $0x1;
	[dreg:$0x2] =	wrdreg s3  }
0xa9: {  	[dreg:$0x3] =	wrdreg s5  }
0xaa: {  	[dreg:$0x4] =	wrdreg $0xC0  }
0xab: {  	_ =	task [dreg:s7], $0x5FFFF  }
0xac: {  	[dreg:$0x1] =	wrdreg $0xFFFFFFFF  }
0xad: {  	[dreg:$0x0] =	wrdreg $0x60  }
0xae: {  	[dreg:$0x2] =	wrdreg s24  }
0xaf: {  	[dreg:$0x3] =	wrdreg s2  }
0xb0: {  	[dreg:$0x4] =	wrdreg $0x7E800  }
0xb1: {  	[dreg:$0x5] =	wrdreg $0xA6800  }
0xb2: {  	[dreg:$0x6] =	wrdreg $0x9  }
0xb3: {  	_ =	task.clear_ibuf [dreg:s7], $0x7FFFF;
	_ =	strace $0x90000046  }
0xb4: {  	s29 =	simm.s32 $0x9;
	_ =	strace $0x80000048  }
0xb5: {  	_ =	swait.ge [sflag:s29], $0x1  }
0xb6: {  	[sflag:s29] =	ssyncadd.s32 $0xFFFFFFFF  }
0xb7: {  	_ =	strace $0x90000048  }
0xb8: {  	_ =	sfence  }
0xb9: {  	s30 =	sld [smem:$0x0];
	_ =	sdelay $0x2  }
0xba: {  	s31 =	sshll.u32 s1, $0xD;
	s1 =	sshrl.u32 s1, $0x2  }
0xbb: {  	s3 =	sand.u32 $0x4000, s31;
	s1 =	sadd.s32 s1, s30  }
0xbc: {  	s0 =	sor.u32 s3, s0;
	s1 =	sshll.u32 s1, $0x11  }
0xbd: {  	s0 =	sor.u32 s1, s0  }
0xbe: {  	s0 =	sadd.s32 $0x8F2B, s0  }
0xbf: {  	[sflag:s0] =	ssyncadd.remote.s32 $0x1  }
0xc0: {  	_ =	sfence.sel $0xFFFF  }
0xc1: {  	[dreg:$0x0] =	wrdreg $0xFFFFFFFF;
	(pc) =	sbr.abs _section_cstart, $3  }
0xc2: {  	[dreg:$0x1] =	wrdreg $0xFFFFFFFF  }
0xc3: {  	_ =	task.clear_ibuf [dreg:s7], $0x2FFFF;
	_ =	strace $0x9FFFFFFF  }
0xc4: {  	(tm) =	ssettm $0x7FFFFFFF  }
0xc5: {  	_ =	shalt  }
tec
execute0_lowered:
.L_overlay_start_1:
0x0: {  	(tag) =	ssettag $0x1  }
0x1: {  	s3 =	rddreg [dreg:$0x0]  }
0x2: {  	s6 =	rddreg [dreg:$0x1];
	s1 =	srdreg.scid  }
0x3: {  	s0 =	stileid.u32;
	s5 =	rddreg [dreg:$0x2]  }
0x4: {  	s8 =	rddreg [dreg:$0x3];
	s2 =	simm.s32 $0x0;
	s13 =	simm.s32 $0x200  }
0x5: {  	s14 =	simm.s32 $0x400;
	s15 =	simm.s32 $0x2C00;
	s16 =	simm.s32 $0x80  }
0x6: {  	s17 =	simm.s32 $0x1400;
	s18 =	simm.s32 $0x14000;
	s19 =	simm.s32 $0x5400  }
0x7: {  	s20 =	simm.s32 $0x100;
	s21 =	simm.s32 $0x7C00;
	s7 =	smul.u32 $0x4E20, s0  }
0x8: {  	s4 =	sand.u32 $0x1, s1;
	s1 =	rddreg [dreg:$0x4];
	s23 =	smul.u32 $0x500, s0  }
0x9: {  	s22 =	simm.s32 $0x0;
	[smem:$0x7FF] =	sst s2;
	s31 =	smul.u32 $0x1400, s0  }
0xa: {  	s25 =	sshrl.u32 s0, $0x3;
	s26 =	sshll.u32 s0, $0x7;
	s9 =	smul.u32 $0x2710, s4  }
0xb: {  	_ =	strace $0x80000047;
	s10 =	sshll.u32 s4, $0x7;
	s28 =	ssub.s32 $0x2, s4  }
0xc: {  	s29 =	sand.u32 $0x380, s26;
	s24 =	sor.u32 s10, s23;
	s7 =	sadd.s32 s9, s7  }
0xd: {  	s30 =	sshrl.u32 s28, $0x1;
	s9 =	smul.u32 $0x14000, s25;
	s7 =	sshrl.u32 s7, $0x3  }
0xe: {  	s10 =	ssub.s32 s28, s30;
	s11 =	sadd.s32 s7, s3;
	s7 =	sshrl.u32 s24, $0x3  }
0xf: {  	s4 =	sor.u32 s29, s9;
	s9 =	smax.u32 s10, $0x1;
	s12 =	sadd.s32 s7, s3  }
0x10: {  	s3 =	sadd.s32 s4, s5;
	s4 =	sadd.s32 s4, s8;
	s5 =	sadd.s32 s31, s5  }
0x11: {  	s6 =	sadd.s32 s6, s7;
	s7 =	sadd.s32 s31, s8;
	s10 =	sadd.s32 $0x1400, s11  }
0x12: {  	v0 =	vimm.f32 $0.0e+00;
	v1 =	vimm.f32 $1.000000000e+00;
	s11 =	sadd.s32 $0xB200, s11;
	s8 =	sadd.s32 $0x15000, s12;
	s12 =	simm.s32 $0x1  }
.LBB2_1:
0x13: {  	s23 =	simm.s32 $0x0  }
.LBB2_2:
0x14: {  	p0 =	sne.s32 s23, $0x9FC0  }
.Ltmp0:
0x15: {  	_ = 	snop;
	(pc) =	sbr.rel @p0 .LBB2_2-.Ltmp0, $4  }
0x16: {  	_ = 	snop  }
0x17: {  	s24 =	sshra.s32 s23, $0x2  }
0x18: {  	[tilespmem:s24+$0x400] =	vst v0  }
0x19: {  	s23 =	sadd.s32 $0x40, s23;
	[tilespmem:s24+$0x2C00] =	vst v0  }
0x1a: {  	s23 =	simm.s32 $0x0  }
.LBB2_4:
0x1b: {  	s24 =	sadd.s32 s23, s11  }
0x1c: {  	[tilespmem:s2], [sflag:$0x1] =	stream.linear.gather [hbm4b:s24+s2], $0x190, $0x38;
	[tilespmem:$0xCE80] =	vst v63  }
0x1d: {  	_ =	swait.ge [sflag:s12], $0x190  }
0x1e: {  	[sflag:s12] =	ssyncset.done $0x0  }
0x1f: {  	s31 =	sadd.s32 s23, s10;
	[sflag:s12] =	ssyncadd.s32 $0xFFFFFE70  }
0x20: {  	[tilespmem:s13], [sflag:$0x1] =	stream.linear.gather [hbm4b:s31+s2], $0x190, $0x38;
	[tilespmem:$0xCE80] =	vst v63  }
0x21: {  	_ =	swait.ge [sflag:s12], $0x190  }
0x22: {  	[sflag:s12] =	ssyncset.done $0x0  }
0x23: {  	[sflag:s12] =	ssyncadd.s32 $0xFFFFFE70  }
0x24: {  	v2 =	vld [tilespmem:$0x0];
	_ =	sdelay $0x7  }
0x25: {  	[tilespmem:v2+s14+$0x0] =	vst.idx.add.f32.msk $0xffff, v1  }
0x26: {  	v2 =	vld [tilespmem:$0x200];
	_ =	sdelay $0x7  }
0x27: {  	[tilespmem:v2+s15+$0x0] =	vst.idx.add.f32.msk $0xffff, v1  }
0x28: {  	v2 =	vld [tilespmem:$0x10];
	_ =	sdelay $0x7  }
0x29: {  	[tilespmem:v2+s14+$0x0] =	vst.idx.add.f32.msk $0xffff, v1  }
0x2a: {  	v2 =	vld [tilespmem:$0x210];
	_ =	sdelay $0x7  }
0x2b: {  	[tilespmem:v2+s15+$0x0] =	vst.idx.add.f32.msk $0xffff, v1  }
0x2c: {  	v2 =	vld [tilespmem:$0x20];
	_ =	sdelay $0x7  }
0x2d: {  	[tilespmem:v2+s14+$0x0] =	vst.idx.add.f32.msk $0xffff, v1  }
0x2e: {  	v2 =	vld [tilespmem:$0x220];
	_ =	sdelay $0x7  }
0x2f: {  	[tilespmem:v2+s15+$0x0] =	vst.idx.add.f32.msk $0xffff, v1  }
0x30: {  	v2 =	vld [tilespmem:$0x30];
	_ =	sdelay $0x7  }
0x31: {  	[tilespmem:v2+s14+$0x0] =	vst.idx.add.f32.msk $0xffff, v1  }
0x32: {  	v2 =	vld [tilespmem:$0x230];
	_ =	sdelay $0x7  }
0x33: {  	[tilespmem:v2+s15+$0x0] =	vst.idx.add.f32.msk $0xffff, v1  }
0x34: {  	v2 =	vld [tilespmem:$0x40];
	_ =	sdelay $0x7  }
0x35: {  	[tilespmem:v2+s14+$0x0] =	vst.idx.add.f32.msk $0xffff, v1  }
0x36: {  	v2 =	vld [tilespmem:$0x240];
	_ =	sdelay $0x7  }
0x37: {  	[tilespmem:v2+s15+$0x0] =	vst.idx.add.f32.msk $0xffff, v1  }
0x38: {  	v2 =	vld [tilespmem:$0x50];
	_ =	sdelay $0x7  }
0x39: {  	[tilespmem:v2+s14+$0x0] =	vst.idx.add.f32.msk $0xffff, v1  }
0x3a: {  	v2 =	vld [tilespmem:$0x250];
	_ =	sdelay $0x7  }
0x3b: {  	[tilespmem:v2+s15+$0x0] =	vst.idx.add.f32.msk $0xffff, v1  }
0x3c: {  	v2 =	vld [tilespmem:$0x60];
	_ =	sdelay $0x7  }
0x3d: {  	[tilespmem:v2+s14+$0x0] =	vst.idx.add.f32.msk $0xffff, v1  }
0x3e: {  	v2 =	vld [tilespmem:$0x260];
	_ =	sdelay $0x7  }
0x3f: {  	[tilespmem:v2+s15+$0x0] =	vst.idx.add.f32.msk $0xffff, v1  }
0x40: {  	v2 =	vld [tilespmem:$0x70];
	_ =	sdelay $0x7  }
0x41: {  	[tilespmem:v2+s14+$0x0] =	vst.idx.add.f32.msk $0xffff, v1  }
0x42: {  	v2 =	vld [tilespmem:$0x270];
	_ =	sdelay $0x7  }
0x43: {  	[tilespmem:v2+s15+$0x0] =	vst.idx.add.f32.msk $0xffff, v1  }
0x44: {  	v2 =	vld [tilespmem:$0x80];
	_ =	sdelay $0x7  }
0x45: {  	[tilespmem:v2+s14+$0x0] =	vst.idx.add.f32.msk $0xffff, v1  }
0x46: {  	v2 =	vld [tilespmem:$0x280];
	_ =	sdelay $0x7  }
0x47: {  	[tilespmem:v2+s15+$0x0] =	vst.idx.add.f32.msk $0xffff, v1  }
0x48: {  	v2 =	vld [tilespmem:$0x90];
	_ =	sdelay $0x7  }
0x49: {  	[tilespmem:v2+s14+$0x0] =	vst.idx.add.f32.msk $0xffff, v1  }
0x4a: {  	v2 =	vld [tilespmem:$0x290];
	_ =	sdelay $0x7  }
0x4b: {  	[tilespmem:v2+s15+$0x0] =	vst.idx.add.f32.msk $0xffff, v1  }
0x4c: {  	v2 =	vld [tilespmem:$0xA0];
	_ =	sdelay $0x7  }
0x4d: {  	[tilespmem:v2+s14+$0x0] =	vst.idx.add.f32.msk $0xffff, v1  }
0x4e: {  	v2 =	vld [tilespmem:$0x2A0];
	_ =	sdelay $0x7  }
0x4f: {  	[tilespmem:v2+s15+$0x0] =	vst.idx.add.f32.msk $0xffff, v1  }
0x50: {  	v2 =	vld [tilespmem:$0xB0];
	_ =	sdelay $0x7  }
0x51: {  	[tilespmem:v2+s14+$0x0] =	vst.idx.add.f32.msk $0xffff, v1  }
0x52: {  	v2 =	vld [tilespmem:$0x2B0];
	_ =	sdelay $0x7  }
0x53: {  	[tilespmem:v2+s15+$0x0] =	vst.idx.add.f32.msk $0xffff, v1  }
0x54: {  	v2 =	vld [tilespmem:$0xC0];
	_ =	sdelay $0x7  }
0x55: {  	[tilespmem:v2+s14+$0x0] =	vst.idx.add.f32.msk $0xffff, v1  }
0x56: {  	v2 =	vld [tilespmem:$0x2C0];
	_ =	sdelay $0x7  }
0x57: {  	[tilespmem:v2+s15+$0x0] =	vst.idx.add.f32.msk $0xffff, v1  }
0x58: {  	v2 =	vld [tilespmem:$0xD0];
	_ =	sdelay $0x7  }
0x59: {  	[tilespmem:v2+s14+$0x0] =	vst.idx.add.f32.msk $0xffff, v1  }
0x5a: {  	v2 =	vld [tilespmem:$0x2D0];
	_ =	sdelay $0x7  }
0x5b: {  	[tilespmem:v2+s15+$0x0] =	vst.idx.add.f32.msk $0xffff, v1  }
0x5c: {  	v2 =	vld [tilespmem:$0xE0];
	_ =	sdelay $0x7  }
0x5d: {  	[tilespmem:v2+s14+$0x0] =	vst.idx.add.f32.msk $0xffff, v1  }
0x5e: {  	v2 =	vld [tilespmem:$0x2E0];
	_ =	sdelay $0x7  }
0x5f: {  	[tilespmem:v2+s15+$0x0] =	vst.idx.add.f32.msk $0xffff, v1  }
0x60: {  	v2 =	vld [tilespmem:$0xF0];
	_ =	sdelay $0x7  }
0x61: {  	[tilespmem:v2+s14+$0x0] =	vst.idx.add.f32.msk $0xffff, v1  }
0x62: {  	v2 =	vld [tilespmem:$0x2F0];
	_ =	sdelay $0x7  }
0x63: {  	[tilespmem:v2+s15+$0x0] =	vst.idx.add.f32.msk $0xffff, v1  }
0x64: {  	v2 =	vld [tilespmem:$0x100];
	_ =	sdelay $0x7  }
0x65: {  	[tilespmem:v2+s14+$0x0] =	vst.idx.add.f32.msk $0xffff, v1  }
0x66: {  	v2 =	vld [tilespmem:$0x300];
	_ =	sdelay $0x7  }
0x67: {  	[tilespmem:v2+s15+$0x0] =	vst.idx.add.f32.msk $0xffff, v1  }
0x68: {  	v2 =	vld [tilespmem:$0x110];
	_ =	sdelay $0x7  }
0x69: {  	[tilespmem:v2+s14+$0x0] =	vst.idx.add.f32.msk $0xffff, v1  }
0x6a: {  	v2 =	vld [tilespmem:$0x310];
	_ =	sdelay $0x7  }
0x6b: {  	[tilespmem:v2+s15+$0x0] =	vst.idx.add.f32.msk $0xffff, v1  }
0x6c: {  	v2 =	vld [tilespmem:$0x120];
	_ =	sdelay $0x7  }
0x6d: {  	[tilespmem:v2+s14+$0x0] =	vst.idx.add.f32.msk $0xffff, v1  }
0x6e: {  	v2 =	vld [tilespmem:$0x320];
	_ =	sdelay $0x7  }
0x6f: {  	[tilespmem:v2+s15+$0x0] =	vst.idx.add.f32.msk $0xffff, v1  }
0x70: {  	v2 =	vld [tilespmem:$0x130];
	_ =	sdelay $0x7  }
0x71: {  	[tilespmem:v2+s14+$0x0] =	vst.idx.add.f32.msk $0xffff, v1  }
0x72: {  	v2 =	vld [tilespmem:$0x330];
	_ =	sdelay $0x7  }
0x73: {  	[tilespmem:v2+s15+$0x0] =	vst.idx.add.f32.msk $0xffff, v1  }
0x74: {  	v2 =	vld [tilespmem:$0x140];
	_ =	sdelay $0x7  }
0x75: {  	[tilespmem:v2+s14+$0x0] =	vst.idx.add.f32.msk $0xffff, v1  }
0x76: {  	v2 =	vld [tilespmem:$0x340];
	_ =	sdelay $0x7  }
0x77: {  	[tilespmem:v2+s15+$0x0] =	vst.idx.add.f32.msk $0xffff, v1  }
0x78: {  	v2 =	vld [tilespmem:$0x150];
	_ =	sdelay $0x7  }
0x79: {  	[tilespmem:v2+s14+$0x0] =	vst.idx.add.f32.msk $0xffff, v1  }
0x7a: {  	v2 =	vld [tilespmem:$0x350];
	_ =	sdelay $0x7  }
0x7b: {  	[tilespmem:v2+s15+$0x0] =	vst.idx.add.f32.msk $0xffff, v1  }
0x7c: {  	v2 =	vld [tilespmem:$0x160];
	_ =	sdelay $0x7  }
0x7d: {  	[tilespmem:v2+s14+$0x0] =	vst.idx.add.f32.msk $0xffff, v1  }
0x7e: {  	v2 =	vld [tilespmem:$0x360];
	_ =	sdelay $0x7  }
0x7f: {  	[tilespmem:v2+s15+$0x0] =	vst.idx.add.f32.msk $0xffff, v1  }
0x80: {  	v2 =	vld [tilespmem:$0x170];
	_ =	sdelay $0x7  }
0x81: {  	[tilespmem:v2+s14+$0x0] =	vst.idx.add.f32.msk $0xffff, v1  }
0x82: {  	v2 =	vld [tilespmem:$0x370];
	_ =	sdelay $0x7  }
0x83: {  	[tilespmem:v2+s15+$0x0] =	vst.idx.add.f32.msk $0xffff, v1  }
0x84: {  	v2 =	vld [tilespmem:$0x180];
	_ =	sdelay $0x7  }
0x85: {  	[tilespmem:v2+s14+$0x0] =	vst.idx.add.f32.msk $0xffff, v1  }
0x86: {  	v2 =	vld [tilespmem:$0x380];
	_ =	sdelay $0x2  }
0x87: {  	p0 =	sne.s32 s23, $0x4B0  }
.Ltmp1:
0x88: {  	_ = 	snop;
	(pc) =	sbr.rel @p0 .LBB2_4-.Ltmp1, $2  }
0x89: {  	_ =	sdelay $0x2  }
0x8a: {  	s23 =	sadd.s32 $0x32, s23;
	[tilespmem:v2+s15+$0x0] =	vst.idx.add.f32.msk $0xffff, v1  }
0x8b: {  	[spmem:s3] =	stream.strided.scatter [tilespmem:s14], [sflag:$0x1], $0x2800, s14, s16, $0x38;
	[tilespmem:$0xCE80] =	vst v63  }
0x8c: {  	_ =	swait.ge [sflag:s12], $0x2800  }
0x8d: {  	[sflag:s12] =	ssyncset.done $0x0  }
0x8e: {  	[sflag:s12] =	ssyncadd.s32 $0xFFFFD800  }
0x8f: {  	[spmem:s4] =	stream.strided.scatter [tilespmem:s15], [sflag:$0x1], $0x2800, s14, s16, $0x38;
	[tilespmem:$0xCE80] =	vst v63  }
0x90: {  	_ =	swait.ge [sflag:s12], $0x2800  }
0x91: {  	[sflag:s12] =	ssyncset.done $0x0  }
0x92: {  	[sflag:s12] =	ssyncadd.s32 $0xFFFFD800  }
0x93: {  	[bflag:$0x0] =	sbarrier.arrive $0xFFFF  }
0x94: {  	[tilespmem:s19], [sflag:$0x1] =	stream.strided.gather [spmem:s5], $0x2800, s18, s17, $0x38;
	[tilespmem:$0xCE80] =	vst v63  }
0x95: {  	s23 =	simm.s32 $0x0;
	_ =	swait.ge [sflag:s12], $0x2800  }
0x96: {  	s24 =	sand.u32 $0x70, s23;
	s23 =	sand.u32 $0x1C00, s23;
	[sflag:s12] =	ssyncset.done $0x0  }
0x97: {  	s23 =	sor.u32 s24, s23;
	[sflag:s12] =	ssyncadd.s32 $0xFFFFD800  }
0x98: {  	v2 =	vld [tilespmem:s23+$0x5480]  }
0x99: {  	v3 =	vld [tilespmem:s23+$0x5400];
	_ =	sdelay $0x1  }
0x9a: {  	v4 =	vld [tilespmem:s23+$0x5500];
	_ =	sdelay $0x1  }
0x9b: {  	v5 =	vld [tilespmem:s23+$0x5580]  }
0x9c: {  	v2 =	vadd.f32 v2, v3  }
0x9d: {  	v3 =	vld [tilespmem:s23+$0x5600]  }
0x9e: {  	v2 =	vadd.f32 v4, v2  }
0x9f: {  	v56 =	vld [tilespmem:s23+$0x5680]  }
0xa0: {  	v2 =	vadd.f32 v5, v2  }
0xa1: {  	v57 =	vld [tilespmem:s23+$0x5700]  }
0xa2: {  	v2 =	vadd.f32 v3, v2  }
0xa3: {  	v3 =	vld [tilespmem:s23+$0x5780]  }
0xa4: {  	v2 =	vadd.f32 v56, v2  }
0xa5: {  	v58 =	vld [tilespmem:s23+$0x6800]  }
0xa6: {  	v2 =	vadd.f32 v57, v2  }
0xa7: {  	v59 =	vld [tilespmem:s23+$0x6880]  }
0xa8: {  	v2 =	vadd.f32 v3, v2  }
0xa9: {  	v3 =	vld [tilespmem:s23+$0x6900]  }
0xaa: {  	v2 =	vadd.f32 v58, v2  }
0xab: {  	v60 =	vld [tilespmem:s23+$0x6980]  }
0xac: {  	v2 =	vadd.f32 v59, v2  }
0xad: {  	v61 =	vld [tilespmem:s23+$0x6A00]  }
0xae: {  	v2 =	vadd.f32 v3, v2  }
0xaf: {  	v3 =	vld [tilespmem:s23+$0x6A80]  }
0xb0: {  	v2 =	vadd.f32 v60, v2  }
0xb1: {  	v62 =	vld [tilespmem:s23+$0x6B00]  }
0xb2: {  	v2 =	vadd.f32 v61, v2  }
0xb3: {  	v63 =	vld [tilespmem:s23+$0x6B80]  }
0xb4: {  	v2 =	vadd.f32 v3, v2;
	_ =	sdelay $0x1  }
0xb5: {  	v2 =	vadd.f32 v62, v2;
	_ =	sdelay $0x1  }
0xb6: {  	s31 =	simm.s32 $0x10;
	s25 =	simm.s32 $0x80;
	v2 =	vadd.f32 v63, v2  }
0xb7: {  	s26 =	sand.u32 $0x1C00, s25;
	s24 =	sand.u32 $0x70, s31;
	s23 =	simm.s32 $0x7C00  }
0xb8: {  	s24 =	sor.u32 s24, s26;
	s26 =	simm.s32 $0x20;
	[tilespmem:s23+$0x0] =	vst v2  }
.LBB2_6:
0xb9: {  	p0 =	sne.s32 s26, $0x270;
	v2 =	vld [tilespmem:s24+$0x5480]  }
0xba: {  	v3 =	vld [tilespmem:s24+$0x5400];
	_ =	sdelay $0x1  }
0xbb: {  	v4 =	vld [tilespmem:s24+$0x5500];
	_ =	sdelay $0x1  }
0xbc: {  	v5 =	vld [tilespmem:s24+$0x5580]  }
0xbd: {  	v2 =	vadd.f32 v2, v3  }
0xbe: {  	v3 =	vld [tilespmem:s24+$0x5600]  }
0xbf: {  	v2 =	vadd.f32 v4, v2  }
0xc0: {  	v4 =	vld [tilespmem:s24+$0x5680]  }
0xc1: {  	v2 =	vadd.f32 v5, v2  }
0xc2: {  	v5 =	vld [tilespmem:s24+$0x5700]  }
0xc3: {  	v2 =	vadd.f32 v3, v2  }
0xc4: {  	v3 =	vld [tilespmem:s24+$0x5780]  }
0xc5: {  	v2 =	vadd.f32 v4, v2  }
0xc6: {  	v4 =	vld [tilespmem:s24+$0x6800]  }
0xc7: {  	v2 =	vadd.f32 v5, v2  }
0xc8: {  	v5 =	vld [tilespmem:s24+$0x6880]  }
0xc9: {  	v2 =	vadd.f32 v3, v2  }
0xca: {  	v3 =	vld [tilespmem:s24+$0x6900]  }
0xcb: {  	v2 =	vadd.f32 v4, v2  }
0xcc: {  	v4 =	vld [tilespmem:s24+$0x6980]  }
0xcd: {  	v2 =	vadd.f32 v5, v2  }
0xce: {  	v5 =	vld [tilespmem:s24+$0x6A00]  }
0xcf: {  	v2 =	vadd.f32 v3, v2  }
0xd0: {  	v3 =	vld [tilespmem:s24+$0x6A80]  }
0xd1: {  	v2 =	vadd.f32 v4, v2  }
0xd2: {  	v4 =	vld [tilespmem:s24+$0x6B00]  }
0xd3: {  	v2 =	vadd.f32 v5, v2  }
0xd4: {  	v5 =	vld [tilespmem:s24+$0x6B80]  }
0xd5: {  	v2 =	vadd.f32 v3, v2;
	_ =	sdelay $0x1  }
.Ltmp2:
0xd6: {  	v2 =	vadd.f32 v4, v2;
	(pc) =	sbr.rel @p0 .LBB2_6-.Ltmp2, $4  }
0xd7: {  	_ = 	snop  }
0xd8: {  	s25 =	sadd.s32 $0x80, s25;
	v2 =	vadd.f32 v5, v2  }
0xd9: {  	s23 =	sadd.s32 $0x10, s23;
	s28 =	sand.u32 $0x1C00, s25;
	s24 =	sand.u32 $0x70, s26  }
0xda: {  	s26 =	sadd.s32 $0x10, s26;
	s24 =	sor.u32 s24, s28;
	[tilespmem:s23+$0x0] =	vst v2  }
0xdb: {  	v2 =	vld [tilespmem:s24+$0x5480]  }
0xdc: {  	v3 =	vld [tilespmem:s24+$0x5400];
	_ =	sdelay $0x1  }
0xdd: {  	v4 =	vld [tilespmem:s24+$0x5500];
	_ =	sdelay $0x1  }
0xde: {  	v5 =	vld [tilespmem:s24+$0x5580]  }
0xdf: {  	v2 =	vadd.f32 v2, v3  }
0xe0: {  	v3 =	vld [tilespmem:s24+$0x5600]  }
0xe1: {  	v2 =	vadd.f32 v4, v2  }
0xe2: {  	v46 =	vld [tilespmem:s24+$0x5680]  }
0xe3: {  	v2 =	vadd.f32 v5, v2  }
0xe4: {  	v47 =	vld [tilespmem:s24+$0x5700]  }
0xe5: {  	v2 =	vadd.f32 v3, v2  }
0xe6: {  	v3 =	vld [tilespmem:s24+$0x5780]  }
0xe7: {  	v2 =	vadd.f32 v46, v2  }
0xe8: {  	v48 =	vld [tilespmem:s24+$0x6800]  }
0xe9: {  	v2 =	vadd.f32 v47, v2  }
0xea: {  	v49 =	vld [tilespmem:s24+$0x6880]  }
0xeb: {  	v2 =	vadd.f32 v3, v2  }
0xec: {  	v3 =	vld [tilespmem:s24+$0x6900]  }
0xed: {  	v2 =	vadd.f32 v48, v2  }
0xee: {  	v50 =	vld [tilespmem:s24+$0x6980]  }
0xef: {  	v2 =	vadd.f32 v49, v2  }
0xf0: {  	v51 =	vld [tilespmem:s24+$0x6A00]  }
0xf1: {  	v2 =	vadd.f32 v3, v2  }
0xf2: {  	v3 =	vld [tilespmem:s24+$0x6A80]  }
0xf3: {  	v2 =	vadd.f32 v50, v2  }
0xf4: {  	v52 =	vld [tilespmem:s24+$0x6B00]  }
0xf5: {  	v2 =	vadd.f32 v51, v2  }
0xf6: {  	v53 =	vld [tilespmem:s24+$0x6B80]  }
0xf7: {  	v2 =	vadd.f32 v3, v2;
	_ =	sdelay $0x1  }
0xf8: {  	v2 =	vadd.f32 v52, v2;
	_ =	sdelay $0x1  }
0xf9: {  	v2 =	vadd.f32 v53, v2  }
0xfa: {  	s23 =	sadd.s32 $0x10, s23  }
0xfb: {  	[tilespmem:s23+$0x0] =	vst v2;
	s23 =	simm.s32 $0x7C00  }
0xfc: {  	[hbm4b:s6+s16] =	stream.strided.scatter [tilespmem:s23], [sflag:$0x1], $0x280, s20, s16, $0x38;
	[tilespmem:$0xCE80] =	vst v63  }
0xfd: {  	_ =	swait.ge [sflag:s12], $0x280  }
0xfe: {  	[sflag:s12] =	ssyncset.done $0x0  }
0xff: {  	[sflag:s12] =	ssyncadd.s32 $0xFFFFFD80  }
0x100: {  	[tilespmem:s19], [sflag:$0x1] =	stream.strided.gather [spmem:s7], $0x2800, s18, s17, $0x38;
	[tilespmem:$0xCE80] =	vst v63  }
0x101: {  	s30 =	simm.s32 $0x0;
	_ =	swait.ge [sflag:s12], $0x2800  }
0x102: {  	s25 =	sand.u32 $0x70, s30;
	s24 =	sand.u32 $0x1C00, s30;
	[sflag:s12] =	ssyncset.done $0x0  }
0x103: {  	s24 =	sor.u32 s25, s24;
	[sflag:s12] =	ssyncadd.s32 $0xFFFFD800  }
0x104: {  	v2 =	vld [tilespmem:s24+$0x5480]  }
0x105: {  	v3 =	vld [tilespmem:s24+$0x5400];
	_ =	sdelay $0x1  }
0x106: {  	v54 =	vld [tilespmem:s24+$0x5500];
	_ =	sdelay $0x1  }
0x107: {  	v55 =	vld [tilespmem:s24+$0x5580]  }
0x108: {  	v2 =	vadd.f32 v2, v3  }
0x109: {  	v3 =	vld [tilespmem:s24+$0x5600]  }
0x10a: {  	v2 =	vadd.f32 v54, v2  }
0x10b: {  	v56 =	vld [tilespmem:s24+$0x5680]  }
0x10c: {  	v2 =	vadd.f32 v55, v2  }
0x10d: {  	v57 =	vld [tilespmem:s24+$0x5700]  }
0x10e: {  	v2 =	vadd.f32 v3, v2  }
0x10f: {  	v3 =	vld [tilespmem:s24+$0x5780]  }
0x110: {  	v2 =	vadd.f32 v56, v2  }
0x111: {  	v58 =	vld [tilespmem:s24+$0x6800]  }
0x112: {  	v2 =	vadd.f32 v57, v2  }
0x113: {  	v59 =	vld [tilespmem:s24+$0x6880]  }
0x114: {  	v2 =	vadd.f32 v3, v2  }
0x115: {  	v3 =	vld [tilespmem:s24+$0x6900]  }
0x116: {  	v2 =	vadd.f32 v58, v2  }
0x117: {  	v60 =	vld [tilespmem:s24+$0x6980]  }
0x118: {  	v2 =	vadd.f32 v59, v2  }
0x119: {  	v61 =	vld [tilespmem:s24+$0x6A00]  }
0x11a: {  	v2 =	vadd.f32 v3, v2  }
0x11b: {  	v3 =	vld [tilespmem:s24+$0x6A80]  }
0x11c: {  	v2 =	vadd.f32 v60, v2  }
0x11d: {  	v62 =	vld [tilespmem:s24+$0x6B00]  }
0x11e: {  	v2 =	vadd.f32 v61, v2  }
0x11f: {  	v63 =	vld [tilespmem:s24+$0x6B80]  }
0x120: {  	v2 =	vadd.f32 v3, v2;
	_ =	sdelay $0x1  }
0x121: {  	v2 =	vadd.f32 v62, v2;
	_ =	sdelay $0x1  }
0x122: {  	s31 =	simm.s32 $0x10;
	s25 =	simm.s32 $0x80;
	v2 =	vadd.f32 v63, v2  }
0x123: {  	s26 =	sand.u32 $0x1C00, s25;
	s24 =	sand.u32 $0x70, s31  }
0x124: {  	s24 =	sor.u32 s24, s26;
	s26 =	simm.s32 $0x20;
	[tilespmem:s23+$0x0] =	vst v2  }
.LBB2_8:
0x125: {  	p0 =	sne.s32 s26, $0x270;
	v2 =	vld [tilespmem:s24+$0x5480]  }
0x126: {  	v3 =	vld [tilespmem:s24+$0x5400];
	_ =	sdelay $0x1  }
0x127: {  	v4 =	vld [tilespmem:s24+$0x5500];
	_ =	sdelay $0x1  }
0x128: {  	v5 =	vld [tilespmem:s24+$0x5580]  }
0x129: {  	v2 =	vadd.f32 v2, v3  }
0x12a: {  	v3 =	vld [tilespmem:s24+$0x5600]  }
0x12b: {  	v2 =	vadd.f32 v4, v2  }
0x12c: {  	v4 =	vld [tilespmem:s24+$0x5680]  }
0x12d: {  	v2 =	vadd.f32 v5, v2  }
0x12e: {  	v5 =	vld [tilespmem:s24+$0x5700]  }
0x12f: {  	v2 =	vadd.f32 v3, v2  }
0x130: {  	v3 =	vld [tilespmem:s24+$0x5780]  }
0x131: {  	v2 =	vadd.f32 v4, v2  }
0x132: {  	v4 =	vld [tilespmem:s24+$0x6800]  }
0x133: {  	v2 =	vadd.f32 v5, v2  }
0x134: {  	v5 =	vld [tilespmem:s24+$0x6880]  }
0x135: {  	v2 =	vadd.f32 v3, v2  }
0x136: {  	v3 =	vld [tilespmem:s24+$0x6900]  }
0x137: {  	v2 =	vadd.f32 v4, v2  }
0x138: {  	v4 =	vld [tilespmem:s24+$0x6980]  }
0x139: {  	v2 =	vadd.f32 v5, v2  }
0x13a: {  	v5 =	vld [tilespmem:s24+$0x6A00]  }
0x13b: {  	v2 =	vadd.f32 v3, v2  }
0x13c: {  	v3 =	vld [tilespmem:s24+$0x6A80]  }
0x13d: {  	v2 =	vadd.f32 v4, v2  }
0x13e: {  	v4 =	vld [tilespmem:s24+$0x6B00]  }
0x13f: {  	v2 =	vadd.f32 v5, v2  }
0x140: {  	v5 =	vld [tilespmem:s24+$0x6B80]  }
0x141: {  	v2 =	vadd.f32 v3, v2;
	_ =	sdelay $0x1  }
.Ltmp3:
0x142: {  	v2 =	vadd.f32 v4, v2;
	(pc) =	sbr.rel @p0 .LBB2_8-.Ltmp3, $4  }
0x143: {  	_ = 	snop  }
0x144: {  	s25 =	sadd.s32 $0x80, s25;
	v2 =	vadd.f32 v5, v2  }
0x145: {  	s23 =	sadd.s32 $0x10, s23;
	s28 =	sand.u32 $0x1C00, s25;
	s24 =	sand.u32 $0x70, s26  }
0x146: {  	s26 =	sadd.s32 $0x10, s26;
	s24 =	sor.u32 s24, s28;
	[tilespmem:s23+$0x0] =	vst v2  }
0x147: {  	v2 =	vld [tilespmem:s24+$0x5480]  }
0x148: {  	v3 =	vld [tilespmem:s24+$0x5400];
	_ =	sdelay $0x1  }
0x149: {  	v4 =	vld [tilespmem:s24+$0x5500];
	_ =	sdelay $0x1  }
0x14a: {  	v5 =	vld [tilespmem:s24+$0x5580]  }
0x14b: {  	v2 =	vadd.f32 v2, v3  }
0x14c: {  	v3 =	vld [tilespmem:s24+$0x5600]  }
0x14d: {  	v2 =	vadd.f32 v4, v2  }
0x14e: {  	v56 =	vld [tilespmem:s24+$0x5680]  }
0x14f: {  	v2 =	vadd.f32 v5, v2  }
0x150: {  	v57 =	vld [tilespmem:s24+$0x5700]  }
0x151: {  	v2 =	vadd.f32 v3, v2  }
0x152: {  	v3 =	vld [tilespmem:s24+$0x5780]  }
0x153: {  	v2 =	vadd.f32 v56, v2  }
0x154: {  	v58 =	vld [tilespmem:s24+$0x6800]  }
0x155: {  	v2 =	vadd.f32 v57, v2  }
0x156: {  	v59 =	vld [tilespmem:s24+$0x6880]  }
0x157: {  	v2 =	vadd.f32 v3, v2  }
0x158: {  	v3 =	vld [tilespmem:s24+$0x6900]  }
0x159: {  	v2 =	vadd.f32 v58, v2  }
0x15a: {  	v60 =	vld [tilespmem:s24+$0x6980]  }
0x15b: {  	v2 =	vadd.f32 v59, v2  }
0x15c: {  	v61 =	vld [tilespmem:s24+$0x6A00]  }
0x15d: {  	v2 =	vadd.f32 v3, v2  }
0x15e: {  	v3 =	vld [tilespmem:s24+$0x6A80]  }
0x15f: {  	v2 =	vadd.f32 v60, v2  }
0x160: {  	v62 =	vld [tilespmem:s24+$0x6B00]  }
0x161: {  	v2 =	vadd.f32 v61, v2  }
0x162: {  	v63 =	vld [tilespmem:s24+$0x6B80]  }
0x163: {  	v2 =	vadd.f32 v3, v2;
	_ =	sdelay $0x1  }
0x164: {  	v2 =	vadd.f32 v62, v2;
	_ =	sdelay $0x1  }
0x165: {  	s22 =	sadd.s32 $0x1, s22;
	v2 =	vadd.f32 v63, v2  }
0x166: {  	s23 =	sadd.s32 $0x10, s23;
	p0 =	sne.s32 s22, s9  }
.Ltmp4:
0x167: {  	[tilespmem:s23+$0x0] =	vst v2;
	(pc) =	sbr.rel @p0 .LBB2_1-.Ltmp4, $4  }
0x168: {  	[hbm4b:s8+s16] =	stream.strided.scatter [tilespmem:s21], [sflag:$0x1], $0x280, s20, s16, $0x38;
	[tilespmem:$0xCE80] =	vst v63  }
0x169: {  	_ =	swait.ge [sflag:s12], $0x280  }
0x16a: {  	[sflag:s12] =	ssyncset.done $0x0  }
0x16b: {  	[sflag:s12] =	ssyncadd.s32 $0xFFFFFD80  }
0x16c: {  	_ =	sfence.sel $0x180000  }
0x16d: {  	[bflag:$0x0] =	sbarrier.arrive $0xFFFF  }
0x16e: {  	p0 =	sne.s32 s0, $0x0;
	_ =	strace $0x90000047  }
0x16f: {  	s0 =	sadd.s32 @!p0 $0x100000, s1;
	[bflag:$0x2] =	sbarrier.arrive $0xFFFF  }
0x170: {  	[sflag:s0] =	ssyncadd.tile.s32 @!p0 $0x1;
	_ =	shalt  }
.Lfunc_end2:
_tile_overlayer_lowered:
.L_overlay_start_2:
0x171: {  	(tag) =	ssettag $0x2  }
0x172: {  	s0 =	rddreg [dreg:$0x0];
	s2 =	stileid.u32  }
0x173: {  	s1 =	rddreg [dreg:$0x1];
	p0 =	sne.s32 s2, $0x0  }
0x174: {  	s3 =	rddreg [dreg:$0x2];
	[bflag:$0x3] =	sbarrier.arrive $0xFFFF;
	s2 =	simm.s32 @!p0 $0x1C01  }
0x175: {  	[timem:s3], [sflag:s2] =	dma.local @!p0 [hbm:s0], s1  }
0x176: {  	s0 =	simm.s32 @!p0 $0x1  }
0x177: {  	_ =	swait.ge @!p0 [sflag:s0], s1  }
0x178: {  	s1 =	ssub.s32 @!p0 $0x0, s1;
	[sflag:s0] =	ssyncset.done @!p0 $0x0  }
0x179: {  	[sflag:s0] =	ssyncadd.s32 @!p0 s1  }
0x17a: {  	[bflag:$0x3] =	sbarrier.arrive $0xFFFF  }
0x17b: {  	_ =	shalt  }

// kernel: kernel.9.cloned.1.call-start
scs
__scs_entry_jumppad:
0x0: {  	(pc) =	sbr.rel $0x88, $3  }
0x1: {  	(tag) =	ssettag $0x0;
	lr =	simm.s32 $0x1  }
0x2: {  	[smem:$0x3F9D] =	sst lr;
	_ =	strace $0xD0000000  }
0x3: {  	_ = 	snop  }
0x4: {  	_ = 	snop  }
0x5: {  	_ = 	snop  }
0x6: {  	_ = 	snop  }
0x7: {  	_ = 	snop  }
__scs_overlays_trampoline_lowered:
0x8: {  	[smem:$0x3FAC] =	sst s0  }
0x9: {  	[smem:$0x3FAD] =	sst s1  }
0xa: {  	[smem:$0x3FAE] =	sst s2  }
0xb: {  	[smem:$0x3FAF] =	sst s3  }
0xc: {  	[smem:$0x3FB0] =	sst s4  }
0xd: {  	[smem:$0x3FB1] =	sst s5  }
0xe: {  	[smem:$0x3FB2] =	sst s6  }
0xf: {  	[smem:$0x3FB3] =	sst s7  }
0x10: {  	[smem:$0x3FB4] =	sst s8  }
0x11: {  	[smem:$0x3FB5] =	sst s9;
	s0 =	simm.s32 @!p0 $0x0  }
0x12: {  	s1 =	sld [smem:$0x3F9B];
	s0 =	simm.s32 @p0 $0x1  }
0x13: {  	[smem:$0x3FB6] =	sst s0;
	s0 =	simm.s32 @!p1 $0x0  }
0x14: {  	s2 =	sld [smem:$0x3F9A];
	s0 =	simm.s32 @p1 $0x1  }
0x15: {  	[smem:$0x3FB7] =	sst s0;
	s0 =	simm.s32 @!p2 $0x0  }
0x16: {  	s3 =	sld [smem:$0x3FDB];
	s0 =	simm.s32 @p2 $0x1  }
0x17: {  	s4 =	simm.s32 $0x1BF5;
	[smem:$0x3FB9] =	sst s0  }
0x18: {  	s0 =	sld [smem:$0x3F9C];
	_ =	swait.ge [sflag:s4], $0x0  }
0x19: {  	s7 =	sld [smem:$0x3F9D]  }
0x1a: {  	s8 =	sadd.s32 $0xFFFFE003, lr  }
0x1b: {  	s9 =	sadd.s32 $0xFFFFFEF7, lr;
	s5 =	simm.s32 $0xFFFFFFFF;
	p2 =	slt.u32 s8, $0xFFFFF086  }
0x1c: {  	p1 =	slt.u32 s9, $0xF7A;
	s5 =	simm.s32 @!p2 $0x0  }
0x1d: {  	s5 =	simm.s32 @p1 $0x1;
	p0 =	seq.s32 s7, s2  }
0x1e: {  	s7 =	smul.u32 @!p0 $0xF7A, s2;
	p2 =	seq.s32 @!p0 s5, $0x0  }
0x1f: {  	s9 =	smul.u32 $0xF7A, s1;
	s8 =	simm.s32 @!p0 $0x1BF5;
	p2 =	por !p2, p0  }
0x20: {  	[sflag:s8] =	ssyncset.s32 @!p0 $0xFFFFF086;
	s6 =	sadd.s32 @!p0 s3, s7;
	s7 =	simm.s32 @!p0 $0x108  }
0x21: {  	s3 =	sadd.s32 s3, s9;
	s6 =	sadd.s32 @!p0 $0x88, s6;
	s7 =	simm.s32 @p2 $0x1082  }
0x22: {  	[simem:s7], [sflag:s8] =	dma.local @!p0 [hbm:s6], $0xF7A  }
0x23: {  	s9 =	sor.u32 $0xD0000000, s2;
	s6 =	simm.s32 $0x108;
	_ =	swait.ge @!p0 [sflag:s8], $0x0  }
0x24: {  	s3 =	sadd.s32 $0x88, s3;
	s6 =	simm.s32 @!p1 $0x1082;
	[sflag:s4] =	ssyncset.s32 $0xFFFFF086  }
0x25: {  	[simem:s6], [sflag:s4] =	dma.local [hbm:s3], $0xF7A  }
0x26: {  	[smem:$0x3F9D] =	sst s1;
	(tag) =	ssettag s2;
	_ =	strace s9  }
0x27: {  	s1 =	sld [smem:$0x3FAD]  }
0x28: {  	s2 =	sld [smem:$0x3FAE]  }
0x29: {  	s4 =	sld [smem:$0x3FB0]  }
0x2a: {  	p0 =	seq.s32 s5, $0x0;
	s5 =	sld [smem:$0x3FB1]  }
0x2b: {  	s6 =	sld [smem:$0x3FB2]  }
0x2c: {  	s7 =	sld [smem:$0x3FB3]  }
0x2d: {  	s3 =	simm.s32 $0x108;
	s8 =	sld [smem:$0x3FB4]  }
0x2e: {  	s3 =	simm.s32 @!p0 $0x1082;
	s9 =	sld [smem:$0x3FB5]  }
0x2f: {  	lr =	sadd.s32 s0, s3;
	s0 =	sld [smem:$0x3FAC]  }
0x30: {  	s3 =	sld [smem:$0x3FAF]  }
0x31: {  	[smem:$0x3FB8] =	sst s10  }
0x32: {  	s10 =	sld [smem:$0x3FB6];
	_ =	sdelay $0x3  }
0x33: {  	p0 =	seq.s32 s10, $0x1;
	s10 =	sld [smem:$0x3FB8];
	_ =	sdelay $0x3  }
0x34: {  	[smem:$0x3FB8] =	sst s10  }
0x35: {  	s10 =	sld [smem:$0x3FB7];
	_ =	sdelay $0x3  }
0x36: {  	p1 =	seq.s32 s10, $0x1;
	s10 =	sld [smem:$0x3FB8];
	_ =	sdelay $0x3  }
0x37: {  	[smem:$0x3FB8] =	sst s10  }
0x38: {  	s10 =	sld [smem:$0x3FB9]  }
0x39: {  	_ = 	snop;
	(pc) =	sbr.ind lr, $3  }
0x3a: {  	_ = 	snop  }
0x3b: {  	_ = 	snop  }
0x3c: {  	p2 =	seq.s32 s10, $0x1;
	s10 =	sld [smem:$0x3FB8]  }
0x3d: {  	_ =	shalt  }
0x3e: {  	_ =	shalt  }
0x3f: {  	_ =	shalt  }
0x40: {  	_ =	shalt  }
0x41: {  	_ =	shalt  }
0x42: {  	_ =	shalt  }
0x43: {  	_ =	shalt  }
0x44: {  	_ =	shalt  }
0x45: {  	_ =	shalt  }
0x46: {  	_ =	shalt  }
0x47: {  	_ =	shalt  }
0x48: {  	_ =	shalt  }
0x49: {  	_ =	shalt  }
0x4a: {  	_ =	shalt  }
0x4b: {  	_ =	shalt  }
0x4c: {  	_ =	shalt  }
0x4d: {  	_ =	shalt  }
0x4e: {  	_ =	shalt  }
0x4f: {  	_ =	shalt  }
0x50: {  	_ =	shalt  }
0x51: {  	_ =	shalt  }
0x52: {  	_ =	shalt  }
0x53: {  	_ =	shalt  }
0x54: {  	_ =	shalt  }
0x55: {  	_ =	shalt  }
0x56: {  	_ =	shalt  }
0x57: {  	_ =	shalt  }
0x58: {  	_ =	shalt  }
0x59: {  	_ =	shalt  }
0x5a: {  	_ =	shalt  }
0x5b: {  	_ =	shalt  }
0x5c: {  	_ =	shalt  }
0x5d: {  	_ =	shalt  }
0x5e: {  	_ =	shalt  }
0x5f: {  	_ =	shalt  }
0x60: {  	_ =	shalt  }
0x61: {  	_ =	shalt  }
0x62: {  	_ =	shalt  }
0x63: {  	_ =	shalt  }
0x64: {  	_ =	shalt  }
0x65: {  	_ =	shalt  }
0x66: {  	_ =	shalt  }
0x67: {  	_ =	shalt  }
0x68: {  	_ =	shalt  }
0x69: {  	_ =	shalt  }
0x6a: {  	_ =	shalt  }
0x6b: {  	_ =	shalt  }
0x6c: {  	_ =	shalt  }
0x6d: {  	_ =	shalt  }
0x6e: {  	_ =	shalt  }
0x6f: {  	_ =	shalt  }
0x70: {  	_ =	shalt  }
0x71: {  	_ =	shalt  }
0x72: {  	_ =	shalt  }
0x73: {  	_ =	shalt  }
0x74: {  	_ =	shalt  }
0x75: {  	_ =	shalt  }
0x76: {  	_ =	shalt  }
0x77: {  	_ =	shalt  }
0x78: {  	_ =	shalt  }
0x79: {  	_ =	shalt  }
0x7a: {  	_ =	shalt  }
0x7b: {  	_ =	shalt  }
0x7c: {  	_ =	shalt  }
0x7d: {  	_ =	shalt  }
0x7e: {  	_ =	shalt  }
0x7f: {  	_ =	shalt  }
0x80: {  	_ =	shalt  }
0x81: {  	_ =	shalt  }
0x82: {  	_ =	shalt  }
0x83: {  	_ =	shalt  }
0x84: {  	_ =	shalt  }
0x85: {  	_ =	shalt  }
0x86: {  	_ =	shalt  }
0x87: {  	_ =	shalt  }
.Lfunc_end0:
.L_simem_size_0:
called_computation.1_lowered:
.L_overlay_start_0:
0x88: {  	s2 =	sld [smem:$0x3FD9]  }
0x89: {  	s3 =	sld [smem:$0x3FFE];
	_ =	sdelay $0x1  }
0x8a: {  	s1 =	srdreg.scid  }
0x8b: {  	s0 =	sand.u32 $0x1, s1  }
0x8c: {  	s17 =	sshll.u32 s0, $0xA;
	s2 =	sadd.s32 s3, s2  }
0x8d: {  	s2 =	sadd.s32 s2, s17  }
0x8e: {  	[smem:$0x3FC4] =	sst s2  }
0x8f: {  	_ = 	snop  }
0x90: {  	s2 =	sld [smem:$0x3FD0];
	(tm) =	ssettm $0x1  }
0x91: {  	s18 =	sld [smem:$0x3FFB];
	_ =	sdelay $0x3  }
0x92: {  	_ =	strace s18  }
0x93: {  	s3 =	sld [smem:$0x3FFC];
	_ =	sdelay $0x3  }
0x94: {  	_ =	strace s3  }
0x95: {  	s3 =	sld [smem:$0x3FFD];
	_ =	sdelay $0x3  }
0x96: {  	_ =	strace s3  }
0x97: {  	_ =	strace $0x8FFFFFFF  }
0x98: {  	s19 =	sld [smem:$0x3FDB];
	_ =	sdelay $0x1  }
0x99: {  	s4 =	simm.s32 $_scs_section_size  }
0x9a: {  	s5 =	simm.s32 $_size__tile_overlayer_lowered;
	s6 =	simm.s32 $_tile_overlayer_lowered  }
0x9b: {  	s22 =	simm.s32 $0x1BFF;
	s21 =	sshll.u32 s6, $0x1;
	s3 =	sadd.s32 s4, s19  }
0x9c: {  	s7 =	simm.s32 $0x0;
	s20 =	sshll.u32 s5, $0x1;
	s5 =	sadd.s32 s21, s3  }
0x9d: {  	[timem:s7], [sflag:s22] =	dma.local [hbm:s5], s20  }
0x9e: {  	_ =	swait.ge [sflag:s22], s20  }
0x9f: {  	s4 =	ssub.s32 $0x0, s20;
	[sflag:s22] =	ssyncset.done $0x0  }
0xa0: {  	[sflag:s22] =	ssyncadd.s32 s4;
	_ =	sdelay $0x1  }
0xa1: {  	s23 =	simm.s32 $0x1B8B  }
0xa2: {  	_ =	swait.ge [sflag:s23], $0x1  }
0xa3: {  	[sflag:s23] =	ssyncset.done $0x0  }
0xa4: {  	s25 =	simm.s32 $0x1B8E;
	s24 =	sld [smem:$0x3FFE];
	[sflag:s23] =	ssyncadd.s32 $0xFFFFFFFF  }
0xa5: {  	s26 =	simm.s32 $execute0_lowered;
	[smem:$0x3FD2] =	sst s25  }
0xa6: {  	s5 =	sshll.u32 s26, $0x1;
	_ =	strace $0x80000049;
	[dreg:$0x1] =	wrdreg $0xFFFFFFFF  }
0xa7: {  	s28 =	simm.s32 $_size_execute0_lowered;
	s3 =	sadd.s32 s3, s5;
	[dreg:$0x0] =	wrdreg $0x0  }
0xa8: {  	s5 =	sshll.u32 s28, $0x1;
	[dreg:$0x2] =	wrdreg s3  }
0xa9: {  	[dreg:$0x3] =	wrdreg s5  }
0xaa: {  	[dreg:$0x4] =	wrdreg $0xC0  }
0xab: {  	_ =	task [dreg:s7], $0x5FFFF  }
0xac: {  	[dreg:$0x1] =	wrdreg $0xFFFFFFFF  }
0xad: {  	[dreg:$0x0] =	wrdreg $0x60  }
0xae: {  	[dreg:$0x2] =	wrdreg s2  }
0xaf: {  	[dreg:$0x3] =	wrdreg s24  }
0xb0: {  	[dreg:$0x4] =	wrdreg $0x69000  }
0xb1: {  	[dreg:$0x5] =	wrdreg $0x9  }
0xb2: {  	_ =	task.clear_ibuf [dreg:s7], $0x6FFFF;
	_ =	strace $0x90000049  }
0xb3: {  	s29 =	simm.s32 $0x9;
	_ =	strace $0x8000004B  }
0xb4: {  	_ =	swait.ge [sflag:s29], $0x1  }
0xb5: {  	[sflag:s29] =	ssyncadd.s32 $0xFFFFFFFF  }
0xb6: {  	_ =	strace $0x9000004B  }
0xb7: {  	_ =	sfence  }
0xb8: {  	s30 =	sld [smem:$0x0];
	_ =	sdelay $0x2  }
0xb9: {  	s31 =	sshll.u32 s1, $0xD;
	s1 =	sshrl.u32 s1, $0x2  }
0xba: {  	s3 =	sand.u32 $0x4000, s31;
	s1 =	sadd.s32 s1, s30  }
0xbb: {  	s0 =	sor.u32 s3, s0;
	s1 =	sshll.u32 s1, $0x11  }
0xbc: {  	s0 =	sor.u32 s1, s0  }
0xbd: {  	s0 =	sadd.s32 $0x8F2B, s0  }
0xbe: {  	[sflag:s0] =	ssyncadd.remote.s32 $0x1  }
0xbf: {  	_ =	sfence.sel $0xFFFF  }
0xc0: {  	[dreg:$0x0] =	wrdreg $0xFFFFFFFF;
	(pc) =	sbr.abs _section_cstart, $3  }
0xc1: {  	[dreg:$0x1] =	wrdreg $0xFFFFFFFF  }
0xc2: {  	_ =	task.clear_ibuf [dreg:s7], $0x2FFFF;
	_ =	strace $0x9FFFFFFF  }
0xc3: {  	(tm) =	ssettm $0x7FFFFFFF  }
tec
execute0_lowered:
.L_overlay_start_1:
0x0: {  	(tag) =	ssettag $0x1  }
0x1: {  	s1 =	rddreg [dreg:$0x0]  }
0x2: {  	s2 =	srdreg.scid;
	s5 =	rddreg [dreg:$0x1]  }
0x3: {  	s0 =	stileid.u32;
	s3 =	rddreg [dreg:$0x2];
	s4 =	simm.s32 $0x0  }
0x4: {  	s20 =	simm.s32 $0x80;
	s21 =	simm.s32 $0x50;
	s22 =	simm.s32 $0x100  }
0x5: {  	s23 =	simm.s32 $0x1;
	s24 =	simm.s32 $0x0;
	s7 =	smul.u32 $0x4E20, s0  }
0x6: {  	s6 =	sand.u32 $0x1, s2;
	s2 =	rddreg [dreg:$0x3];
	s29 =	smul.u32 $0x50000, s0  }
0x7: {  	[smem:$0x7FF] =	sst s4;
	s9 =	smul.u32 $0x14000, s0;
	s14 =	sadd.s32 $0x15A00, s5  }
0x8: {  	s8 =	smul.u32 $0x2710, s6;
	_ =	strace $0x8000004A;
	s30 =	ssub.s32 $0x2, s6  }
0x9: {  	s16 =	smul.u32 $0x140000, s6;
	s31 =	sshrl.u32 s30, $0x1;
	s10 =	sadd.s32 $0x4000, s9  }
0xa: {  	s12 =	sadd.s32 $0x8000, s9;
	s13 =	sadd.s32 $0xC000, s9;
	s18 =	sadd.s32 $0x10000, s9  }
0xb: {  	s7 =	sadd.s32 s8, s7;
	s8 =	sshrl.u32 s29, $0x2;
	s15 =	ssub.s32 s30, s31  }
0xc: {  	s6 =	sadd.s32 s10, s3;
	s11 =	sadd.s32 s9, s16;
	s10 =	sadd.s32 s16, s10  }
0xd: {  	s9 =	sadd.s32 s18, s3;
	s7 =	sshrl.u32 s7, $0x3;
	s11 =	sshrl.u32 s11, $0x3  }
0xe: {  	s19 =	sshrl.u32 s10, $0x3;
	s15 =	smax.u32 s15, $0x1;
	s17 =	sadd.s32 s7, s5  }
0xf: {  	s5 =	sadd.s32 s8, s3;
	s7 =	sadd.s32 s12, s3;
	s8 =	sadd.s32 s13, s3  }
0x10: {  	s10 =	sadd.s32 s14, s11;
	s11 =	sadd.s32 s14, s19;
	s12 =	sadd.s32 s16, s12  }
0x11: {  	s13 =	sadd.s32 s16, s13;
	s16 =	sadd.s32 s16, s18;
	s18 =	simm.s32 $0x2900  }
0x12: {  	s19 =	simm.s32 $0x2;
	s12 =	sshrl.u32 s12, $0x3;
	s13 =	sshrl.u32 s13, $0x3  }
0x13: {  	s16 =	sshrl.u32 s16, $0x3;
	s12 =	sadd.s32 s14, s12;
	s13 =	sadd.s32 s14, s13  }
0x14: {  	v0 =	vimm.f32 $0.0e+00;
	s14 =	sadd.s32 s14, s16;
	s16 =	sadd.s32 $0x1400, s17;
	s17 =	sadd.s32 $0xB200, s17  }
.LBB2_1:
0x15: {  	s25 =	simm.s32 $0x0;
	s26 =	simm.s32 $0x200  }
.LBB2_2:
0x16: {  	p0 =	sne.s32 s26, $0xFE00;
	[tilespmem:s25+$0x2970] =	vst v0  }
0x17: {  	[tilespmem:s25+$0x2900] =	vst v0  }
0x18: {  	[tilespmem:s25+$0x2910] =	vst v0  }
.Ltmp0:
0x19: {  	[tilespmem:s25+$0x2920] =	vst v0;
	(pc) =	sbr.rel @p0 .LBB2_2-.Ltmp0, $4  }
0x1a: {  	[tilespmem:s25+$0x2930] =	vst v0  }
0x1b: {  	[tilespmem:s25+$0x2940] =	vst v0  }
0x1c: {  	[tilespmem:s25+$0x2950] =	vst v0  }
0x1d: {  	[tilespmem:s25+$0x2960] =	vst v0;
	s25 =	sshra.s32 s26, $0x2;
	s26 =	sadd.s32 $0x200, s26  }
0x1e: {  	[tilespmem:s25+$0x2970] =	vst v0  }
0x1f: {  	[tilespmem:s25+$0x2900] =	vst v0  }
0x20: {  	[tilespmem:s25+$0x2910] =	vst v0  }
0x21: {  	[tilespmem:s25+$0x2920] =	vst v0  }
0x22: {  	[tilespmem:s25+$0x2930] =	vst v0  }
0x23: {  	[tilespmem:s25+$0x2940] =	vst v0  }
0x24: {  	[tilespmem:s25+$0x2950] =	vst v0  }
0x25: {  	[tilespmem:s25+$0x2960] =	vst v0  }
0x26: {  	[spmem:s5] =	stream.linear.scatter [tilespmem:s18], [sflag:$0x2], $0x4000, $0x38;
	[tilespmem:$0x1A900] =	vst v63  }
0x27: {  	_ =	swait.ge [sflag:s19], $0x4000  }
0x28: {  	[sflag:s19] =	ssyncset.done $0x0  }
0x29: {  	[sflag:s19] =	ssyncadd.s32 $0xFFFFC000  }
0x2a: {  	[spmem:s6] =	stream.linear.scatter [tilespmem:s18], [sflag:$0x2], $0x4000, $0x38;
	[tilespmem:$0x1A900] =	vst v63  }
0x2b: {  	_ =	swait.ge [sflag:s19], $0x4000  }
0x2c: {  	[sflag:s19] =	ssyncset.done $0x0  }
0x2d: {  	[sflag:s19] =	ssyncadd.s32 $0xFFFFC000  }
0x2e: {  	[spmem:s7] =	stream.linear.scatter [tilespmem:s18], [sflag:$0x2], $0x4000, $0x38;
	[tilespmem:$0x1A900] =	vst v63  }
0x2f: {  	_ =	swait.ge [sflag:s19], $0x4000  }
0x30: {  	[sflag:s19] =	ssyncset.done $0x0  }
0x31: {  	[sflag:s19] =	ssyncadd.s32 $0xFFFFC000  }
0x32: {  	[spmem:s8] =	stream.linear.scatter [tilespmem:s18], [sflag:$0x2], $0x4000, $0x38;
	[tilespmem:$0x1A900] =	vst v63  }
0x33: {  	_ =	swait.ge [sflag:s19], $0x4000  }
0x34: {  	[sflag:s19] =	ssyncset.done $0x0  }
0x35: {  	[sflag:s19] =	ssyncadd.s32 $0xFFFFC000  }
0x36: {  	[spmem:s9] =	stream.linear.scatter [tilespmem:s18], [sflag:$0x2], $0x4000, $0x38;
	[tilespmem:$0x1A900] =	vst v63  }
0x37: {  	_ =	swait.ge [sflag:s19], $0x4000  }
0x38: {  	[sflag:s19] =	ssyncset.done $0x0  }
0x39: {  	[sflag:s19] =	ssyncadd.s32 $0xFFFFC000  }
0x3a: {  	s30 =	sadd.s32 $0x0, s17;
	[bflag:$0x0] =	sbarrier.arrive $0xFFFF  }
0x3b: {  	[tilespmem:s4], [sflag:$0x2] =	stream.linear.gather [hbm4b:s30+s4], $0x50, $0x38;
	[tilespmem:$0x1A900] =	vst v63  }
0x3c: {  	_ =	swait.ge [sflag:s19], $0x50  }
0x3d: {  	[sflag:s19] =	ssyncset.done $0x0  }
0x3e: {  	s31 =	sadd.s32 $0x0, s16;
	[sflag:s19] =	ssyncadd.s32 $0xFFFFFFB0  }
0x3f: {  	[tilespmem:s20], [sflag:$0x2] =	stream.linear.gather [hbm4b:s31+s4], $0x50, $0x38;
	[tilespmem:$0x1A900] =	vst v63  }
0x40: {  	_ =	swait.ge [sflag:s19], $0x50  }
0x41: {  	[sflag:s19] =	ssyncset.done $0x0  }
0x42: {  	[sflag:s19] =	ssyncadd.s32 $0xFFFFFFB0  }
0x43: {  	[tilespmem:s22], [sflag:$0x1] =	stream.indirect.gather [hbm4b:s1+s21], $0x80, s4, s21, $0xb8;
	[tilespmem:$0x1A900] =	vst v63  }
0x44: {  	_ =	swait.ge [sflag:s23], $0x2800  }
0x45: {  	[sflag:s23] =	ssyncset.done $0x0  }
0x46: {  	[sflag:s23] =	ssyncadd.s32 $0xFFFFD800  }
0x47: {  	[spmem:s3] =	stream.indirect.scatter.add.f32 [tilespmem:s22], [sflag:$0x2], $0x80, s20, s21, $0xb8;
	[tilespmem:$0x1A900] =	vst v63  }
0x48: {  	_ =	swait.ge [sflag:s19], $0x2800  }
0x49: {  	s25 =	simm.s32 $0xA;
	s26 =	simm.s32 $0x14;
	[sflag:s19] =	ssyncset.done $0x0  }
.LBB2_4:
0x4a: {  	s28 =	sadd.s32 s25, s17  }
0x4b: {  	[sflag:s19] =	ssyncadd.s32 $0xFFFFD800;
	s29 =	smov.u32 s26;
	s30 =	sadd.s32 $0xA, s26  }
0x4c: {  	[tilespmem:s4], [sflag:$0x2] =	stream.linear.gather [hbm4b:s28+s4], $0x50, $0x38;
	[tilespmem:$0x1A900] =	vst v63  }
0x4d: {  	p0 =	sne.s32 s26, $0x4D8;
	_ =	swait.ge [sflag:s19], $0x50  }
0x4e: {  	[sflag:s19] =	ssyncset.done $0x0  }
0x4f: {  	s26 =	sadd.s32 s25, s16;
	s25 =	smov.u32 s29;
	[sflag:s19] =	ssyncadd.s32 $0xFFFFFFB0  }
0x50: {  	[tilespmem:s20], [sflag:$0x2] =	stream.linear.gather [hbm4b:s26+s4], $0x50, $0x38;
	[tilespmem:$0x1A900] =	vst v63  }
0x51: {  	_ =	swait.ge [sflag:s19], $0x50  }
0x52: {  	[sflag:s19] =	ssyncset.done $0x0  }
0x53: {  	[sflag:s19] =	ssyncadd.s32 $0xFFFFFFB0  }
0x54: {  	[tilespmem:s22], [sflag:$0x1] =	stream.indirect.gather [hbm4b:s1+s21], $0x80, s4, s21, $0xb8;
	[tilespmem:$0x1A900] =	vst v63  }
0x55: {  	_ =	swait.ge [sflag:s23], $0x2800  }
.Ltmp1:
0x56: {  	[sflag:s23] =	ssyncset.done $0x0;
	(pc) =	sbr.rel @p0 .LBB2_4-.Ltmp1, $4  }
0x57: {  	[sflag:s23] =	ssyncadd.s32 $0xFFFFD800  }
0x58: {  	[spmem:s3] =	stream.indirect.scatter.add.f32 [tilespmem:s22], [sflag:$0x2], $0x80, s20, s21, $0xb8;
	[tilespmem:$0x1A900] =	vst v63  }
0x59: {  	_ =	swait.ge [sflag:s19], $0x2800  }
0x5a: {  	s26 =	smov.u32 s30;
	[sflag:s19] =	ssyncset.done $0x0  }
0x5b: {  	s26 =	sadd.s32 s25, s17;
	[sflag:s19] =	ssyncadd.s32 $0xFFFFD800  }
0x5c: {  	[tilespmem:s4], [sflag:$0x2] =	stream.linear.gather [hbm4b:s26+s4], $0x50, $0x38;
	[tilespmem:$0x1A900] =	vst v63  }
0x5d: {  	_ =	swait.ge [sflag:s19], $0x50  }
0x5e: {  	[sflag:s19] =	ssyncset.done $0x0  }
0x5f: {  	s29 =	sadd.s32 s25, s16;
	[sflag:s19] =	ssyncadd.s32 $0xFFFFFFB0  }
0x60: {  	[tilespmem:s20], [sflag:$0x2] =	stream.linear.gather [hbm4b:s29+s4], $0x50, $0x38;
	[tilespmem:$0x1A900] =	vst v63  }
0x61: {  	_ =	swait.ge [sflag:s19], $0x50  }
0x62: {  	[sflag:s19] =	ssyncset.done $0x0  }
0x63: {  	[sflag:s19] =	ssyncadd.s32 $0xFFFFFFB0  }
0x64: {  	[tilespmem:s22], [sflag:$0x1] =	stream.indirect.gather [hbm4b:s1+s21], $0x80, s4, s21, $0xb8;
	[tilespmem:$0x1A900] =	vst v63  }
0x65: {  	_ =	swait.ge [sflag:s23], $0x2800  }
0x66: {  	[sflag:s23] =	ssyncset.done $0x0  }
0x67: {  	[sflag:s23] =	ssyncadd.s32 $0xFFFFD800  }
0x68: {  	[spmem:s3] =	stream.indirect.scatter.add.f32 [tilespmem:s22], [sflag:$0x2], $0x80, s20, s21, $0xb8;
	[tilespmem:$0x1A900] =	vst v63  }
0x69: {  	_ =	swait.ge [sflag:s19], $0x2800  }
0x6a: {  	[sflag:s19] =	ssyncset.done $0x0  }
0x6b: {  	s30 =	sshll.u32 s0, $0x6;
	[sflag:s19] =	ssyncadd.s32 $0xFFFFD800  }
0x6c: {  	s31 =	sshrl.u32 s5, $0x3;
	s25 =	sor.u32 $0x1C02, s30;
	[bflag:$0x0] =	sbarrier.arrive $0xFFFF  }
0x6d: {  	[hbm:s10], [sflag:s25] =	dma.local [spmem:s31], $0x800  }
0x6e: {  	_ =	swait.ge [sflag:s19], $0x800  }
0x6f: {  	[sflag:s19] =	ssyncset.done $0x0  }
0x70: {  	s28 =	sshrl.u32 s6, $0x3;
	[sflag:s19] =	ssyncadd.s32 $0xFFFFF800  }
0x71: {  	[hbm:s11], [sflag:s25] =	dma.local [spmem:s28], $0x800  }
0x72: {  	_ =	swait.ge [sflag:s19], $0x800  }
0x73: {  	[sflag:s19] =	ssyncset.done $0x0  }
0x74: {  	s29 =	sshrl.u32 s7, $0x3;
	[sflag:s19] =	ssyncadd.s32 $0xFFFFF800  }
0x75: {  	[hbm:s12], [sflag:s25] =	dma.local [spmem:s29], $0x800  }
0x76: {  	_ =	swait.ge [sflag:s19], $0x800  }
0x77: {  	[sflag:s19] =	ssyncset.done $0x0  }
0x78: {  	s30 =	sshrl.u32 s8, $0x3;
	[sflag:s19] =	ssyncadd.s32 $0xFFFFF800  }
0x79: {  	[hbm:s13], [sflag:s25] =	dma.local [spmem:s30], $0x800  }
0x7a: {  	s24 =	sadd.s32 $0x1, s24;
	_ =	swait.ge [sflag:s19], $0x800  }
0x7b: {  	p0 =	sne.s32 s24, s15;
	[sflag:s19] =	ssyncset.done $0x0  }
.Ltmp2:
0x7c: {  	s31 =	sshrl.u32 s9, $0x3;
	[sflag:s19] =	ssyncadd.s32 $0xFFFFF800;
	(pc) =	sbr.rel @p0 .LBB2_1-.Ltmp2, $4  }
0x7d: {  	[hbm:s14], [sflag:s25] =	dma.local [spmem:s31], $0x800  }
0x7e: {  	_ =	swait.ge [sflag:s19], $0x800  }
0x7f: {  	[sflag:s19] =	ssyncset.done $0x0  }
0x80: {  	[sflag:s19] =	ssyncadd.s32 $0xFFFFF800  }
0x81: {  	_ =	sfence.sel $0x180000  }
0x82: {  	[bflag:$0x0] =	sbarrier.arrive $0xFFFF  }
0x83: {  	p0 =	sne.s32 s0, $0x0;
	_ =	strace $0x9000004A  }
0x84: {  	s0 =	sadd.s32 @!p0 $0x100000, s2;
	[bflag:$0x2] =	sbarrier.arrive $0xFFFF  }
0x85: {  	[sflag:s0] =	ssyncadd.tile.s32 @!p0 $0x1;
	_ =	shalt  }
.Lfunc_end2:
_tile_overlayer_lowered:
.L_overlay_start_2:
0x86: {  	(tag) =	ssettag $0x2  }
0x87: {  	s0 =	rddreg [dreg:$0x0];
	s2 =	stileid.u32  }
0x88: {  	s1 =	rddreg [dreg:$0x1];
	p0 =	sne.s32 s2, $0x0  }
0x89: {  	s3 =	rddreg [dreg:$0x2];
	[bflag:$0x3] =	sbarrier.arrive $0xFFFF;
	s2 =	simm.s32 @!p0 $0x1C02  }
0x8a: {  	[timem:s3], [sflag:s2] =	dma.local @!p0 [hbm:s0], s1  }
0x8b: {  	s0 =	simm.s32 @!p0 $0x2  }
0x8c: {  	_ =	swait.ge @!p0 [sflag:s0], s1  }
0x8d: {  	s1 =	ssub.s32 @!p0 $0x0, s1;
	[sflag:s0] =	ssyncset.done @!p0 $0x0  }
0x8e: {  	[sflag:s0] =	ssyncadd.s32 @!p0 s1  }
0x8f: {  	[bflag:$0x3] =	sbarrier.arrive $0xFFFF  }
0x90: {  	_ =	shalt  }

</sc_bundles>
